<compile_context>
chip_gen: v7x
topology: tpu7x:2x2x1
jax: 0.10.2.dev20260603
libtpu: 0.0.44.dev20260713+nightly
codegen_flags: <defaults>
</compile_context>

<pallas_src>
import functools

import numpy as np
import jax
import jax.numpy as jnp
from jax import lax
from jax.experimental import pallas as pl
from jax.experimental.pallas import tpu as pltpu
from jax.experimental.pallas import tpu_sc as plsc

NUM_TRAIN = 256
A = 20000
AP = 20480
G = 100
CHUNKL = 2048
NCHUNK = AP // CHUNKL
NSTREAM = 16384
NEGSZ = AP + 272


def _mt_streams(nseeds: int, n: int) -> np.ndarray:
    u32 = np.uint32

    def twist(key):
        def f(cur, nxt, far):
            y = (cur & u32(0x80000000)) | (nxt & u32(0x7FFFFFFF))
            v = far ^ (y >> u32(1))
            return np.where((y & u32(1)) == 1, v ^ u32(0x9908B0DF), v)

        new = np.empty_like(key)
        new[:227] = f(key[:227], key[1:228], key[397:624])
        new[227:454] = f(key[227:454], key[228:455], new[0:227])
        new[454:623] = f(key[454:623], key[455:624], new[227:396])
        new[623] = f(key[623:624], new[0:1], new[396:397])[0]
        return new

    def temper(y):
        y = y ^ (y >> u32(11))
        y = y ^ ((y << u32(7)) & u32(0x9D2C5680))
        y = y ^ ((y << u32(15)) & u32(0xEFC60000))
        y = y ^ (y >> u32(18))
        return y

    out = np.empty((nseeds, n), dtype=np.uint32)
    nblocks = -(-n // 624)
    for seed in range(nseeds):
        key = np.empty(624, dtype=np.uint64)
        s = seed & 0xFFFFFFFF
        for p in range(624):
            key[p] = s
            s = (1812433253 * (s ^ (s >> 30)) + p + 1) & 0xFFFFFFFF
        key = key.astype(np.uint32)
        blocks = []
        for _ in range(nblocks):
            key = twist(key)
            blocks.append(temper(key))
        out[seed] = np.concatenate(blocks)[:n]
    return out.view(np.int32)


_STREAMS = _mt_streams(8, NSTREAM)


def _stagea_body(a_ref, gc_ref, gt_ref, tc_ref, am_ref, pd_ref, mx_scr, am_scr):
    c = pl.program_id(1)
    a = jnp.clip(a_ref[0], 0.0, 1.0)
    ay1, ax1, ay2, ax2 = a[0:1, :], a[1:2, :], a[2:3, :], a[3:4, :]
    g = gc_ref[0]
    gy1, gx1, gy2, gx2 = g[:, 0:1], g[:, 1:2], g[:, 2:3], g[:, 3:4]
    ih = jnp.maximum(jnp.minimum(ay2, gy2) - jnp.maximum(ay1, gy1), 0.0)
    iw = jnp.maximum(jnp.minimum(ax2, gx2) - jnp.maximum(ax1, gx1), 0.0)
    inter = ih * iw
    area_a = (ay2 - ay1) * (ax2 - ax1)
    area_g = (gy2 - gy1) * (gx2 - gx1)
    ov = inter / (area_a + area_g - inter + 1e-8)

    mx = jnp.max(ov, axis=0, keepdims=True)
    iota_g = lax.broadcasted_iota(jnp.int32, (G, CHUNKL), 0)
    ti = jnp.min(jnp.where(ov == mx, iota_g, G), axis=0, keepdims=True)
    tc = jnp.where(mx < 0.3, 0, -1).astype(jnp.int32)
    tc = jnp.where(mx >= 0.7, 1, tc)
    gidx = c * CHUNKL + lax.broadcasted_iota(jnp.int32, (1, CHUNKL), 1)
    tc_ref[0] = jnp.where(gidx < A, tc, -1)

    cmx = jnp.max(ov, axis=1, keepdims=True)
    iota_a = lax.broadcasted_iota(jnp.int32, (G, CHUNKL), 1) + c * CHUNKL
    cam = jnp.min(jnp.where(ov == cmx, iota_a, AP), axis=1, keepdims=True)

    @pl.when(c == 0)
    def _():
        mx_scr[0:G, 0:1] = jnp.full((G, 1), -1.0, jnp.float32)
        am_scr[0:G, 0:1] = jnp.zeros((G, 1), jnp.int32)

    prev_mx = mx_scr[0:G, 0:1]
    upd = cmx > prev_mx
    mx_scr[0:G, 0:1] = jnp.where(upd, cmx, prev_mx)
    am_scr[0:G, 0:1] = jnp.where(upd, cam, am_scr[0:G, 0:1])

    @pl.when(c == NCHUNK - 1)
    def _():
        am_ref[0, 0:G, :] = am_scr[0:G, 0:1]

    onehot = (iota_g == ti).astype(jnp.float32)
    gm = lax.dot_general(gt_ref[0], onehot, (((1,), (0,)), ((), ())),
                         precision=lax.Precision.HIGHEST,
                         preferred_element_type=jnp.float32)
    ah = jnp.maximum(ay2 - ay1, 1e-6)
    aw = jnp.maximum(ax2 - ax1, 1e-6)
    acy = (ay1 + ay2) * 0.5
    acx = (ax1 + ax2) * 0.5
    gh = jnp.maximum(gm[2:3, :] - gm[0:1, :], 1e-6)
    gw = jnp.maximum(gm[3:4, :] - gm[1:2, :], 1e-6)
    gcy = (gm[0:1, :] + gm[2:3, :]) * 0.5
    gcx = (gm[1:2, :] + gm[3:4, :]) * 0.5
    pd_ref[0] = jnp.concatenate(
        [(gcy - acy) / ah, (gcx - acx) / aw,
         jnp.log(gh / ah), jnp.log(gw / aw)], axis=0)


def _stagea(a_t, gt, gt_t):
    return pl.pallas_call(
        _stagea_body,
        grid=(8, NCHUNK),
        in_specs=[
            pl.BlockSpec((1, 4, CHUNKL), lambda b, c: (b, 0, c)),
            pl.BlockSpec((1, G, 4), lambda b, c: (b, 0, 0)),
            pl.BlockSpec((1, 4, G), lambda b, c: (b, 0, 0)),
        ],
        out_specs=[
            pl.BlockSpec((1, 1, CHUNKL), lambda b, c: (b, 0, c)),
            pl.BlockSpec((1, 128, 1), lambda b, c: (b, 0, 0)),
            pl.BlockSpec((1, 4, CHUNKL), lambda b, c: (b, 0, c)),
        ],
        out_shape=[
            jax.ShapeDtypeStruct((8, 1, AP), jnp.int32),
            jax.ShapeDtypeStruct((8, 128, 1), jnp.int32),
            jax.ShapeDtypeStruct((8, 4, AP), jnp.float32),
        ],
        scratch_shapes=[
            pltpu.VMEM((128, 8), jnp.float32),
            pltpu.VMEM((128, 8), jnp.int32),
        ],
    )(a_t, gt, gt_t)


def _sc_body(tc_hbm, am_hbm, st_hbm, cls_hbm, tc_v, am_v, st_v, pos_v, neg_v):
    cid = lax.axis_index("c")
    sid = lax.axis_index("s")
    wid = sid * 2 + cid

    @pl.when(wid < 8)
    def _():
        b = wid
        with jax.named_scope("sc_dma_in"):
            pltpu.sync_copy(tc_hbm.at[b], tc_v)
            pltpu.sync_copy(am_hbm.at[b], am_v)
            pltpu.sync_copy(st_hbm.at[b], st_v.at[pl.ds(0, NSTREAM)])

        iota16 = lax.iota(jnp.int32, 16)
        one16 = jnp.ones((16,), jnp.int32)

        for k in range(7):
            idx = am_v[pl.ds(k * 16, 16)]
            msk = (iota16 + k * 16) < G
            plsc.store_scatter(tc_v, [idx], one16, mask=msk)

        def _scalar(x):
            return x[0] if getattr(x, "ndim", 0) else x

        def comp_body(ci, carry):
            poff, noff = carry
            for u in range(5):
                cc = ci * 5 + u
                v = tc_v[pl.ds(cc * 16, 16)]
                ids = iota16 + cc * 16
                pm = v == 1
                nm = v == 0
                plsc.store_compressed(pos_v.at[pl.ds(poff, 16)], ids, mask=pm)
                plsc.store_compressed(neg_v.at[pl.ds(noff, 16)], ids, mask=nm)
                poff = poff + _scalar(plsc.all_reduce_population_count(pm))
                noff = noff + _scalar(plsc.all_reduce_population_count(nm))
            return (poff, noff)

        with jax.named_scope("sc_compact"):
            p, m = lax.fori_loop(0, AP // 80, comp_body,
                                 (jnp.int32(0), jnp.int32(0)))

        zero16 = jnp.zeros((16,), jnp.int32)

        def scan_accept(i, t):
            msk = i | (i >> 1)
            msk = msk | (msk >> 2)
            msk = msk | (msk >> 4)
            msk = msk | (msk >> 8)
            msk = msk | (msk >> 16)

            def cond(tt):
                v = st_v[pl.ds(tt, 16)] & msk
                return jnp.logical_not(jnp.any(v <= i)) & (tt < NSTREAM)

            t = lax.while_loop(cond, lambda tt: tt + 16, t)
            v = st_v[pl.ds(t, 16)] & msk
            r = plsc.all_reduce_ffs(v <= i)
            r = r[0] if getattr(r, "ndim", 0) else r
            j = v.at[zero16 + r].get(mode="promise_in_bounds")[0]
            return j, t + r + 1

        swap_perm = jnp.where(iota16 == 0, 1, 0)

        def shuffle_phase(buf, n, excess, t, count_tail):
            def sbody(s, t):
                i = n - 1 - s
                j, t = scan_accept(i, t)
                idxv = jnp.where(iota16 == 0, i, j)
                vals = plsc.load_gather(buf, [idxv])
                swapped = vals.at[swap_perm].get(mode="promise_in_bounds")
                plsc.store_scatter(buf, [idxv], swapped, mask=iota16 < 2)
                return t

            t = lax.fori_loop(0, jnp.where(excess > 0, n - excess, 0),
                              sbody, t)

            if not count_tail:
                return t

            def cbody(s, t):
                i = excess - 1 - s
                _, t = scan_accept(i, t)
                return t

            return lax.fori_loop(0, jnp.where(excess > 0, excess - 1, 0),
                                 cbody, t)

        excess_pos = p - NUM_TRAIN // 2
        with jax.named_scope("sc_shuffle_pos"):
            t = shuffle_phase(pos_v, p, excess_pos, jnp.int32(0), True)
        remaining_pos = p - jnp.maximum(excess_pos, 0)
        desired_neg = NUM_TRAIN - remaining_pos
        excess_neg = m - desired_neg
        with jax.named_scope("sc_shuffle_neg"):
            shuffle_phase(neg_v, m, excess_neg, t, False)

        kp = excess_pos > 0
        kn = excess_neg > 0

        neg_one16 = jnp.full((16,), -1, jnp.int32)

        def ms_body(ci, carry):
            for u in range(10):
                tc_v[pl.ds((ci * 10 + u) * 16, 16)] = neg_one16
            return carry

        with jax.named_scope("sc_memset"):
            lax.fori_loop(0, AP // 160, ms_body, jnp.int32(0))

        pstart = jnp.where(kp, excess_pos, 0)
        pcount = jnp.where(kp, NUM_TRAIN // 2, p)

        def pk_body(k, carry):
            idx = pos_v[pl.ds(pstart + k * 16, 16)]
            msk = (iota16 + k * 16) < pcount
            plsc.store_scatter(tc_v, [idx], one16, mask=msk)
            return carry

        lax.fori_loop(0, (pcount + 15) // 16, pk_body, jnp.int32(0))

        nstart = jnp.where(kn, excess_neg, 0)
        ncount = jnp.where(kn, desired_neg, m)

        def nk_body(k, carry):
            idx = neg_v[pl.ds(nstart + k * 16, 16)]
            msk = (iota16 + k * 16) < ncount
            plsc.store_scatter(tc_v, [idx], jnp.zeros((16,), jnp.int32),
                               mask=msk)
            return carry

        lax.fori_loop(0, (ncount + 15) // 16, nk_body, jnp.int32(0))

        with jax.named_scope("sc_dma_out"):
            pltpu.sync_copy(tc_v, cls_hbm.at[b])


def _stage2(tc0, amax, streams):
    mesh = plsc.VectorSubcoreMesh(core_axis_name="c", subcore_axis_name="s")
    f = functools.partial(
        pl.kernel,
        mesh=mesh,
        compiler_params=pltpu.CompilerParams(needs_layout_passes=False),
        out_type=jax.ShapeDtypeStruct((8, AP), jnp.int32),
        scratch_types=[
            pltpu.VMEM((AP,), jnp.int32),
            pltpu.VMEM((128,), jnp.int32),
            pltpu.VMEM((NSTREAM + 16,), jnp.int32),
            pltpu.VMEM((AP + 16,), jnp.int32),
            pltpu.VMEM((NEGSZ,), jnp.int32),
        ],
    )(_sc_body)
    return f(tc0, amax, streams)


def _stageb_body(pd_ref, cls_ref, d_ref):
    d_ref[0] = jnp.where(cls_ref[0] == 1, pd_ref[0], 0.0)


def _stageb(pdt, cls3):
    return pl.pallas_call(
        _stageb_body,
        grid=(8, NCHUNK),
        in_specs=[
            pl.BlockSpec((1, 4, CHUNKL), lambda b, c: (b, 0, c)),
            pl.BlockSpec((1, 1, CHUNKL), lambda b, c: (b, 0, c)),
        ],
        out_specs=pl.BlockSpec((1, 4, CHUNKL), lambda b, c: (b, 0, c)),
        out_shape=jax.ShapeDtypeStruct((8, 4, AP), jnp.float32),
    )(pdt, cls3)


def kernel(anchors, true_bboxes):
    a_pad = jnp.concatenate(
        [anchors, jnp.zeros((8, AP - A, 4), jnp.float32)], axis=1)
    a_t = a_pad.transpose(0, 2, 1)
    gt_t = true_bboxes.transpose(0, 2, 1)
    tc0, amax, pdt = _stagea(a_t, true_bboxes, gt_t)
    streams = jnp.asarray(_STREAMS)
    classes_full = _stage2(tc0.reshape(8, AP), amax.reshape(8, 128), streams)
    deltas_t = _stageb(pdt, classes_full.reshape(8, 1, AP))
    classes = classes_full[:, :A]
    deltas = deltas_t[:, :, :A].transpose(0, 2, 1)
    return classes, deltas

# --- scband reference (transcript-rebuilt; emitter-appended) ---
"""Pipeline reference for scband-rpntarget-layer-22849226015386 (READ-ONLY COPY).

The authoritative reference and input builder live on the scoring server;
editing this copy changes nothing except your own understanding.
"""

import jax, jax.numpy as jnp
import numpy as np

NUM_TRAIN_ANCHORS = 256


def _make_boxes(key, n, m, max_size):
    k1, k2, k3, k4 = jax.random.split(key, 4)
    y1 = jax.random.uniform(k1, (n, m)) * (1.0 - max_size)
    x1 = jax.random.uniform(k2, (n, m)) * (1.0 - max_size)
    h = 0.01 + jax.random.uniform(k3, (n, m)) * (max_size - 0.01)
    w = 0.01 + jax.random.uniform(k4, (n, m)) * (max_size - 0.01)
    return jnp.stack([y1, x1, y1 + h, x1 + w], axis=-1).astype(jnp.float32)


def setup_inputs(seed: int = 0):
    key = jax.random.key(seed)
    ka, kb = jax.random.split(key)
    anchors = _make_boxes(ka, 8, 20000, 0.2)
    true_bboxes = _make_boxes(kb, 8, 100, 0.2)
    return {"anchors": anchors, "true_bboxes": true_bboxes}


def _strip_out_of_bounds_anchors(a):
    # keep static shape: clip anchors into the normalized image window
    return jnp.clip(a, 0.0, 1.0)


def _bbox_overlap(a, g):
    ay1, ax1, ay2, ax2 = a[:, None, 0], a[:, None, 1], a[:, None, 2], a[:, None, 3]
    gy1, gx1, gy2, gx2 = g[None, :, 0], g[None, :, 1], g[None, :, 2], g[None, :, 3]
    ih = jnp.maximum(jnp.minimum(ay2, gy2) - jnp.maximum(ay1, gy1), 0.0)
    iw = jnp.maximum(jnp.minimum(ax2, gx2) - jnp.maximum(ax1, gx1), 0.0)
    inter = ih * iw
    area_a = (ay2 - ay1) * (ax2 - ax1)
    area_g = (gy2 - gy1) * (gx2 - gx1)
    return inter / (area_a + area_g - inter + 1e-8)


def _get_target_classes(overlaps):
    A = overlaps.shape[0]
    tc = -jnp.ones((A,), jnp.int32)
    iou_max_val = jnp.max(overlaps, axis=1)
    tc = jnp.where(iou_max_val < 0.3, jnp.zeros((A,), jnp.int32), tc)
    iou_max_anchor = jnp.argmax(overlaps, axis=0)
    pos = jnp.zeros((A,), jnp.int32).at[iou_max_anchor].add(1)
    tc = jnp.where(pos > 0, jnp.ones((A,), jnp.int32), tc)
    tc = jnp.where(iou_max_val >= 0.7, jnp.ones((A,), jnp.int32), tc)
    return tc


def _mt_init(seed):
    key = np.empty(624, dtype=np.uint32)
    s = seed & 0xFFFFFFFF
    for p in range(624):
        key[p] = s
        s = (1812433253 * (s ^ (s >> 30)) + p + 1) & 0xFFFFFFFF
    return jnp.asarray(key), jnp.int32(624)


def _mt_next(state):
    key, pos = state

    def _twist(k):
        def body(i, k):
            y = (k[i] & jnp.uint32(0x80000000)) | (k[(i + 1) % 624] & jnp.uint32(0x7FFFFFFF))
            v = k[(i + 397) % 624] ^ (y >> 1) ^ jnp.where(
                (y & jnp.uint32(1)) == 1, jnp.uint32(0x9908B0DF), jnp.uint32(0)
            )
            return k.at[i].set(v)

        return jax.lax.fori_loop(0, 624, body, k)

    key = jax.lax.cond(pos >= 624, _twist, lambda k: k, key)
    pos = jnp.where(pos >= 624, 0, pos)
    y = key[pos]
    y = y ^ (y >> 11)
    y = y ^ ((y << 7) & jnp.uint32(0x9D2C5680))
    y = y ^ ((y << 15) & jnp.uint32(0xEFC60000))
    y = y ^ (y >> 18)
    return y, (key, pos + 1)


def _rand_interval(maxv, state):
    maxu = maxv.astype(jnp.uint32)
    mask = maxu
    mask = mask | (mask >> 1)
    mask = mask | (mask >> 2)
    mask = mask | (mask >> 4)
    mask = mask | (mask >> 8)
    mask = mask | (mask >> 16)

    def body(c):
        _, st = c
        v, st = _mt_next(st)
        return v & mask, st

    val, state = jax.lax.while_loop(
        lambda c: c[0] > maxu, body, (jnp.uint32(0xFFFFFFFF), state)
    )
    return val.astype(jnp.int32), state


def _shuffle_prefix(buf, n, state):
    def cond(c):
        return c[1] >= 1

    def body(c):
        b, i, st = c
        j, st = _rand_interval(i, st)
        bi = b[i]
        bj = b[j]
        b = b.at[i].set(bj).at[j].set(bi)
        return b, i - 1, st

    buf, _, state = jax.lax.while_loop(cond, body, (buf, n - 1, state))
    return buf, state


def _subsample(tc, seed):
    A = tc.shape[0]
    ar = jnp.arange(A, dtype=jnp.int32)
    state = _mt_init(seed)
    p = jnp.sum(tc > 0).astype(jnp.int32)
    pos_buf = jnp.sort(jnp.where(tc > 0, ar, jnp.int32(A)))
    excess_pos = p - NUM_TRAIN_ANCHORS // 2
    pos_buf, state = _shuffle_prefix(pos_buf, jnp.where(excess_pos > 0, p, 0), state)
    tc = tc.at[jnp.where(ar < excess_pos, pos_buf, jnp.int32(A))].set(-1, mode="drop")
    remaining_pos = p - jnp.maximum(excess_pos, 0)
    desired_neg = NUM_TRAIN_ANCHORS - remaining_pos
    m = jnp.sum(tc == 0).astype(jnp.int32)
    neg_buf = jnp.sort(jnp.where(tc == 0, ar, jnp.int32(A)))
    excess_neg = m - desired_neg
    neg_buf, state = _shuffle_prefix(neg_buf, jnp.where(excess_neg > 0, m, 0), state)
    tc = tc.at[jnp.where(ar < excess_neg, neg_buf, jnp.int32(A))].set(-1, mode="drop")
    return tc


def _compute_bbox_deltas(a, g):
    ah = jnp.maximum(a[:, 2] - a[:, 0], 1e-6)
    aw = jnp.maximum(a[:, 3] - a[:, 1], 1e-6)
    acy = (a[:, 0] + a[:, 2]) * 0.5
    acx = (a[:, 1] + a[:, 3]) * 0.5
    gh = jnp.maximum(g[:, 2] - g[:, 0], 1e-6)
    gw = jnp.maximum(g[:, 3] - g[:, 1], 1e-6)
    gcy = (g[:, 0] + g[:, 2]) * 0.5
    gcx = (g[:, 1] + g[:, 3]) * 0.5
    dy = (gcy - acy) / ah
    dx = (gcx - acx) / aw
    dh = jnp.log(gh / ah)
    dw = jnp.log(gw / aw)
    return jnp.stack([dy, dx, dh, dw], axis=1)


def reference(anchors, true_bboxes):
    classes, deltas = [], []
    N = anchors.shape[0]
    for i in range(N):
        a = _strip_out_of_bounds_anchors(anchors[i])
        g = true_bboxes[i]
        ov = _bbox_overlap(a, g)
        tc = _subsample(_get_target_classes(ov), i)
        ti = jnp.argmax(ov, axis=1)
        pd = _compute_bbox_deltas(a, g[ti])
        d = jnp.where((tc > 0)[:, None], pd, jnp.zeros_like(a))
        classes.append(jnp.asarray(tc, jnp.int32))
        deltas.append(d)
    return jnp.stack(classes), jnp.stack(deltas)

if __name__ == "__main__":
    import jax
    _d = setup_inputs()
    print(jax.jit(kernel)(*tuple(_d.values())))

</pallas_src>

<mosaic_0001>
#map = affine_map<(d0, d1) -> (0, 0)>
module attributes {stable_mosaic.version = 14 : i64} {
  func.func @_sc_body(%arg0: i32, %arg1: i32, %arg2: memref<8x20480xi32, #tpu.memory_space<hbm>>, %arg3: memref<8x128xi32, #tpu.memory_space<hbm>>, %arg4: memref<8x16384xi32, #tpu.memory_space<hbm>>, %arg5: memref<8x20480xi32, #tpu.memory_space<hbm>>, %arg6: memref<20480xi32, #tpu.memory_space<vmem>>, %arg7: memref<128xi32, #tpu.memory_space<vmem>>, %arg8: memref<16400xi32, #tpu.memory_space<vmem>>, %arg9: memref<20496xi32, #tpu.memory_space<vmem>>, %arg10: memref<20752xi32, #tpu.memory_space<vmem>>) attributes {dimension_semantics = [#tpu.dimension_semantics<core_parallel>, #tpu.dimension_semantics<subcore_parallel>], iteration_bounds = array<i64: 2, 16>, scalar_prefetch = 0 : i64, scratch_operands = 5 : i64, tpu.core_type = #tpu.core_type<sc_vector_subcore>, window_params = [{transform_indices = #map}, {transform_indices = #map}, {transform_indices = #map}, {transform_indices = #map}]} {
    %mul3A = arith.constant 2 : i32
    %mul3A_0 = arith.muli %arg1, %mul3A : i32
    %add3A = arith.addi %mul3A_0, %arg0 : i32
    %lt3A = arith.constant 8 : i32
    %lt3A_1 = arith.cmpi slt, %add3A, %lt3A : i32
    %convert_element_type3A = arith.extui %lt3A_1 : i1 to i32
    %cond3A = arith.constant 0 : i32
    %cond3A_2 = arith.cmpi ne, %convert_element_type3A, %cond3A : i32
    scf.if %cond3A_2 {
      "tpu.trace_start"() <{level = 10 : i32, message = "sc_dma_in"}> : () -> ()
      "tpu.region"() ({
        %run_scoped3A = tpu.sem_alloc : memref<!tpu.dma_semaphore, #tpu.memory_space<semaphore_mem>>
        %dma_start3A = arith.constant 0 : i32
        %dma_start3A_213 = tpu.memref_slice %arg2[%add3A, %dma_start3A] : memref<8x20480xi32, #tpu.memory_space<hbm>> -> memref<1x20480xi32, #tpu.memory_space<hbm>>
        %dma_start3A_214 = tpu.memref_squeeze %dma_start3A_213 : memref<1x20480xi32, #tpu.memory_space<hbm>> -> memref<20480xi32, #tpu.memory_space<hbm>>
        %dma_start3A_215 = arith.constant 0 : i32
        %dma_start3A_216 = tpu.memref_slice %arg2[%add3A, %dma_start3A_215] : memref<8x20480xi32, #tpu.memory_space<hbm>> -> memref<1x20480xi32, #tpu.memory_space<hbm>>
        %dma_start3A_217 = tpu.memref_squeeze %dma_start3A_216 : memref<1x20480xi32, #tpu.memory_space<hbm>> -> memref<20480xi32, #tpu.memory_space<hbm>>
        tpu.enqueue_dma source(%dma_start3A_217 : memref<20480xi32, #tpu.memory_space<hbm>>) target(%arg6 : memref<20480xi32, #tpu.memory_space<vmem>>) target_semaphore(%run_scoped3A : memref<!tpu.dma_semaphore, #tpu.memory_space<semaphore_mem>>)
        %dma_wait3A = arith.constant 0 : i32
        %dma_wait3A_218 = tpu.memref_slice %arg2[%add3A, %dma_wait3A] : memref<8x20480xi32, #tpu.memory_space<hbm>> -> memref<1x20480xi32, #tpu.memory_space<hbm>>
        %dma_wait3A_219 = tpu.memref_squeeze %dma_wait3A_218 : memref<1x20480xi32, #tpu.memory_space<hbm>> -> memref<20480xi32, #tpu.memory_space<hbm>>
        %dma_wait3A_220 = arith.constant 0 : i32
        %dma_wait3A_221 = tpu.memref_slice %arg2[%add3A, %dma_wait3A_220] : memref<8x20480xi32, #tpu.memory_space<hbm>> -> memref<1x20480xi32, #tpu.memory_space<hbm>>
        %dma_wait3A_222 = tpu.memref_squeeze %dma_wait3A_221 : memref<1x20480xi32, #tpu.memory_space<hbm>> -> memref<20480xi32, #tpu.memory_space<hbm>>
        tpu.wait_dma2 semaphore(%run_scoped3A : memref<!tpu.dma_semaphore, #tpu.memory_space<semaphore_mem>>) src(%dma_wait3A_222 : memref<20480xi32, #tpu.memory_space<hbm>>) dst(%arg6 : memref<20480xi32, #tpu.memory_space<vmem>>)
        tpu.yield
      }) : () -> ()
      "tpu.region"() ({
        %run_scoped3A = tpu.sem_alloc : memref<!tpu.dma_semaphore, #tpu.memory_space<semaphore_mem>>
        %dma_start3A = arith.constant 0 : i32
        %dma_start3A_213 = tpu.memref_slice %arg3[%add3A, %dma_start3A] : memref<8x128xi32, #tpu.memory_space<hbm>> -> memref<1x128xi32, #tpu.memory_space<hbm>>
        %dma_start3A_214 = tpu.memref_squeeze %dma_start3A_213 : memref<1x128xi32, #tpu.memory_space<hbm>> -> memref<128xi32, #tpu.memory_space<hbm>>
        %dma_start3A_215 = arith.constant 0 : i32
        %dma_start3A_216 = tpu.memref_slice %arg3[%add3A, %dma_start3A_215] : memref<8x128xi32, #tpu.memory_space<hbm>> -> memref<1x128xi32, #tpu.memory_space<hbm>>
        %dma_start3A_217 = tpu.memref_squeeze %dma_start3A_216 : memref<1x128xi32, #tpu.memory_space<hbm>> -> memref<128xi32, #tpu.memory_space<hbm>>
        tpu.enqueue_dma source(%dma_start3A_217 : memref<128xi32, #tpu.memory_space<hbm>>) target(%arg7 : memref<128xi32, #tpu.memory_space<vmem>>) target_semaphore(%run_scoped3A : memref<!tpu.dma_semaphore, #tpu.memory_space<semaphore_mem>>)
        %dma_wait3A = arith.constant 0 : i32
        %dma_wait3A_218 = tpu.memref_slice %arg3[%add3A, %dma_wait3A] : memref<8x128xi32, #tpu.memory_space<hbm>> -> memref<1x128xi32, #tpu.memory_space<hbm>>
        %dma_wait3A_219 = tpu.memref_squeeze %dma_wait3A_218 : memref<1x128xi32, #tpu.memory_space<hbm>> -> memref<128xi32, #tpu.memory_space<hbm>>
        %dma_wait3A_220 = arith.constant 0 : i32
        %dma_wait3A_221 = tpu.memref_slice %arg3[%add3A, %dma_wait3A_220] : memref<8x128xi32, #tpu.memory_space<hbm>> -> memref<1x128xi32, #tpu.memory_space<hbm>>
        %dma_wait3A_222 = tpu.memref_squeeze %dma_wait3A_221 : memref<1x128xi32, #tpu.memory_space<hbm>> -> memref<128xi32, #tpu.memory_space<hbm>>
        tpu.wait_dma2 semaphore(%run_scoped3A : memref<!tpu.dma_semaphore, #tpu.memory_space<semaphore_mem>>) src(%dma_wait3A_222 : memref<128xi32, #tpu.memory_space<hbm>>) dst(%arg7 : memref<128xi32, #tpu.memory_space<vmem>>)
        tpu.yield
      }) : () -> ()
      "tpu.region"() ({
        %run_scoped3A = tpu.sem_alloc : memref<!tpu.dma_semaphore, #tpu.memory_space<semaphore_mem>>
        %dma_start3A = arith.constant 0 : i32
        %dma_start3A_213 = tpu.memref_slice %arg8[%dma_start3A] : memref<16400xi32, #tpu.memory_space<vmem>> -> memref<16384xi32, #tpu.memory_space<vmem>>
        %dma_start3A_214 = arith.constant 0 : i32
        %dma_start3A_215 = tpu.memref_slice %arg4[%add3A, %dma_start3A_214] : memref<8x16384xi32, #tpu.memory_space<hbm>> -> memref<1x16384xi32, #tpu.memory_space<hbm>>
        %dma_start3A_216 = tpu.memref_squeeze %dma_start3A_215 : memref<1x16384xi32, #tpu.memory_space<hbm>> -> memref<16384xi32, #tpu.memory_space<hbm>>
        %dma_start3A_217 = arith.constant 0 : i32
        %dma_start3A_218 = tpu.memref_slice %arg8[%dma_start3A_217] : memref<16400xi32, #tpu.memory_space<vmem>> -> memref<16384xi32, #tpu.memory_space<vmem>>
        %dma_start3A_219 = arith.constant 0 : i32
        %dma_start3A_220 = tpu.memref_slice %arg4[%add3A, %dma_start3A_219] : memref<8x16384xi32, #tpu.memory_space<hbm>> -> memref<1x16384xi32, #tpu.memory_space<hbm>>
        %dma_start3A_221 = tpu.memref_squeeze %dma_start3A_220 : memref<1x16384xi32, #tpu.memory_space<hbm>> -> memref<16384xi32, #tpu.memory_space<hbm>>
        tpu.enqueue_dma source(%dma_start3A_221 : memref<16384xi32, #tpu.memory_space<hbm>>) target(%dma_start3A_218 : memref<16384xi32, #tpu.memory_space<vmem>>) target_semaphore(%run_scoped3A : memref<!tpu.dma_semaphore, #tpu.memory_space<semaphore_mem>>)
        %dma_wait3A = arith.constant 0 : i32
        %dma_wait3A_222 = tpu.memref_slice %arg8[%dma_wait3A] : memref<16400xi32, #tpu.memory_space<vmem>> -> memref<16384xi32, #tpu.memory_space<vmem>>
        %dma_wait3A_223 = arith.constant 0 : i32
        %dma_wait3A_224 = tpu.memref_slice %arg4[%add3A, %dma_wait3A_223] : memref<8x16384xi32, #tpu.memory_space<hbm>> -> memref<1x16384xi32, #tpu.memory_space<hbm>>
        %dma_wait3A_225 = tpu.memref_squeeze %dma_wait3A_224 : memref<1x16384xi32, #tpu.memory_space<hbm>> -> memref<16384xi32, #tpu.memory_space<hbm>>
        %dma_wait3A_226 = arith.constant 0 : i32
        %dma_wait3A_227 = tpu.memref_slice %arg8[%dma_wait3A_226] : memref<16400xi32, #tpu.memory_space<vmem>> -> memref<16384xi32, #tpu.memory_space<vmem>>
        %dma_wait3A_228 = arith.constant 0 : i32
        %dma_wait3A_229 = tpu.memref_slice %arg4[%add3A, %dma_wait3A_228] : memref<8x16384xi32, #tpu.memory_space<hbm>> -> memref<1x16384xi32, #tpu.memory_space<hbm>>
        %dma_wait3A_230 = tpu.memref_squeeze %dma_wait3A_229 : memref<1x16384xi32, #tpu.memory_space<hbm>> -> memref<16384xi32, #tpu.memory_space<hbm>>
        tpu.wait_dma2 semaphore(%run_scoped3A : memref<!tpu.dma_semaphore, #tpu.memory_space<semaphore_mem>>) src(%dma_wait3A_230 : memref<16384xi32, #tpu.memory_space<hbm>>) dst(%dma_wait3A_227 : memref<16384xi32, #tpu.memory_space<vmem>>)
        tpu.yield
      }) : () -> ()
      "tpu.trace_stop"() : () -> ()
      %iota3A = tpu.iota {dimensions = array<i32: 0>} : vector<16xi32>
      %broadcast_in_dim3A = arith.constant 1 : i32
      %broadcast_in_dim3A_3 = vector.broadcast %broadcast_in_dim3A : i32 to vector<16xi32>
      %get3A = arith.constant 0 : index
      %get3A_4 = tpu.vector_load %arg7[%get3A] {strides = array<i32>} : memref<128xi32, #tpu.memory_space<vmem>>, vector<16xi32>,
      %add3A_5 = arith.constant 0 : i32
      %add3A_6 = vector.broadcast %add3A_5 : i32 to vector<16xi32>
      %add3A_7 = arith.addi %iota3A, %add3A_6 : vector<16xi32>
      %lt3A_8 = arith.constant 100 : i32
      %lt3A_9 = vector.broadcast %lt3A_8 : i32 to vector<16xi32>
      %lt3A_10 = arith.cmpi slt, %add3A_7, %lt3A_9 : vector<16xi32>
      tpu.vector_store_idx %arg6[%get3A_4], %broadcast_in_dim3A_3 masked %lt3A_10 : memref<20480xi32, #tpu.memory_space<vmem>>[vector<16xi32>], vector<16xi32>, vector<16xi1>
      %get3A_11 = arith.constant 16 : index
      %get3A_12 = tpu.vector_load %arg7[%get3A_11] {strides = array<i32>} : memref<128xi32, #tpu.memory_space<vmem>>, vector<16xi32>,
      %add3A_13 = arith.constant 16 : i32
      %add3A_14 = vector.broadcast %add3A_13 : i32 to vector<16xi32>
      %add3A_15 = arith.addi %iota3A, %add3A_14 : vector<16xi32>
      %lt3A_16 = arith.constant 100 : i32
      %lt3A_17 = vector.broadcast %lt3A_16 : i32 to vector<16xi32>
      %lt3A_18 = arith.cmpi slt, %add3A_15, %lt3A_17 : vector<16xi32>
      tpu.vector_store_idx %arg6[%get3A_12], %broadcast_in_dim3A_3 masked %lt3A_18 : memref<20480xi32, #tpu.memory_space<vmem>>[vector<16xi32>], vector<16xi32>, vector<16xi1>
      %get3A_19 = arith.constant 32 : index
      %get3A_20 = tpu.vector_load %arg7[%get3A_19] {strides = array<i32>} : memref<128xi32, #tpu.memory_space<vmem>>, vector<16xi32>,
      %add3A_21 = arith.constant 32 : i32
      %add3A_22 = vector.broadcast %add3A_21 : i32 to vector<16xi32>
      %add3A_23 = arith.addi %iota3A, %add3A_22 : vector<16xi32>
      %lt3A_24 = arith.constant 100 : i32
      %lt3A_25 = vector.broadcast %lt3A_24 : i32 to vector<16xi32>
      %lt3A_26 = arith.cmpi slt, %add3A_23, %lt3A_25 : vector<16xi32>
      tpu.vector_store_idx %arg6[%get3A_20], %broadcast_in_dim3A_3 masked %lt3A_26 : memref<20480xi32, #tpu.memory_space<vmem>>[vector<16xi32>], vector<16xi32>, vector<16xi1>
      %get3A_27 = arith.constant 48 : index
      %get3A_28 = tpu.vector_load %arg7[%get3A_27] {strides = array<i32>} : memref<128xi32, #tpu.memory_space<vmem>>, vector<16xi32>,
      %add3A_29 = arith.constant 48 : i32
      %add3A_30 = vector.broadcast %add3A_29 : i32 to vector<16xi32>
      %add3A_31 = arith.addi %iota3A, %add3A_30 : vector<16xi32>
      %lt3A_32 = arith.constant 100 : i32
      %lt3A_33 = vector.broadcast %lt3A_32 : i32 to vector<16xi32>
      %lt3A_34 = arith.cmpi slt, %add3A_31, %lt3A_33 : vector<16xi32>
      tpu.vector_store_idx %arg6[%get3A_28], %broadcast_in_dim3A_3 masked %lt3A_34 : memref<20480xi32, #tpu.memory_space<vmem>>[vector<16xi32>], vector<16xi32>, vector<16xi1>
      %get3A_35 = arith.constant 64 : index
      %get3A_36 = tpu.vector_load %arg7[%get3A_35] {strides = array<i32>} : memref<128xi32, #tpu.memory_space<vmem>>, vector<16xi32>,
      %add3A_37 = arith.constant 64 : i32
      %add3A_38 = vector.broadcast %add3A_37 : i32 to vector<16xi32>
      %add3A_39 = arith.addi %iota3A, %add3A_38 : vector<16xi32>
      %lt3A_40 = arith.constant 100 : i32
      %lt3A_41 = vector.broadcast %lt3A_40 : i32 to vector<16xi32>
      %lt3A_42 = arith.cmpi slt, %add3A_39, %lt3A_41 : vector<16xi32>
      tpu.vector_store_idx %arg6[%get3A_36], %broadcast_in_dim3A_3 masked %lt3A_42 : memref<20480xi32, #tpu.memory_space<vmem>>[vector<16xi32>], vector<16xi32>, vector<16xi1>
      %get3A_43 = arith.constant 80 : index
      %get3A_44 = tpu.vector_load %arg7[%get3A_43] {strides = array<i32>} : memref<128xi32, #tpu.memory_space<vmem>>, vector<16xi32>,
      %add3A_45 = arith.constant 80 : i32
      %add3A_46 = vector.broadcast %add3A_45 : i32 to vector<16xi32>
      %add3A_47 = arith.addi %iota3A, %add3A_46 : vector<16xi32>
      %lt3A_48 = arith.constant 100 : i32
      %lt3A_49 = vector.broadcast %lt3A_48 : i32 to vector<16xi32>
      %lt3A_50 = arith.cmpi slt, %add3A_47, %lt3A_49 : vector<16xi32>
      tpu.vector_store_idx %arg6[%get3A_44], %broadcast_in_dim3A_3 masked %lt3A_50 : memref<20480xi32, #tpu.memory_space<vmem>>[vector<16xi32>], vector<16xi32>, vector<16xi1>
      %get3A_51 = arith.constant 96 : index
      %get3A_52 = tpu.vector_load %arg7[%get3A_51] {strides = array<i32>} : memref<128xi32, #tpu.memory_space<vmem>>, vector<16xi32>,
      %add3A_53 = arith.constant 96 : i32
      %add3A_54 = vector.broadcast %add3A_53 : i32 to vector<16xi32>
      %add3A_55 = arith.addi %iota3A, %add3A_54 : vector<16xi32>
      %lt3A_56 = arith.constant 100 : i32
      %lt3A_57 = vector.broadcast %lt3A_56 : i32 to vector<16xi32>
      %lt3A_58 = arith.cmpi slt, %add3A_55, %lt3A_57 : vector<16xi32>
      tpu.vector_store_idx %arg6[%get3A_52], %broadcast_in_dim3A_3 masked %lt3A_58 : memref<20480xi32, #tpu.memory_space<vmem>>[vector<16xi32>], vector<16xi32>, vector<16xi1>
      "tpu.trace_start"() <{level = 10 : i32, message = "sc_compact"}> : () -> ()
      %scan3A = arith.constant 0 : i32
      %scan3A_59 = arith.constant 0 : i32
      %scan3A_60 = arith.constant 0 : i32
      %scan3A_61 = arith.constant 256 : i32
      %scan3A_62 = arith.addi %scan3A_60, %scan3A_61 : i32
      %scan3A_63 = arith.constant 1 : i32
      %scan3A_64:2 = scf.for %scan3A_213 = %scan3A_60 to %scan3A_62 step %scan3A_63 iter_args(%scan3A_214 = %scan3A, %scan3A_215 = %scan3A_59) -> (i32, i32)  : i32 {
        %mul3A_216 = arith.constant 5 : i32
        %mul3A_217 = arith.muli %scan3A_213, %mul3A_216 : i32
        %add3A_218 = arith.constant 0 : i32
        %add3A_219 = arith.addi %mul3A_217, %add3A_218 : i32
        %mul3A_220 = arith.constant 16 : i32
        %mul3A_221 = arith.muli %add3A_219, %mul3A_220 : i32
        %get3A_222 = arith.index_cast %mul3A_221 : i32 to index
        %get3A_223 = tpu.vector_load %arg6[%get3A_222] {strides = array<i32>} : memref<20480xi32, #tpu.memory_space<vmem>>, vector<16xi32>,
        %mul3A_224 = arith.constant 16 : i32
        %mul3A_225 = arith.muli %add3A_219, %mul3A_224 : i32
        %add3A_226 = vector.broadcast %mul3A_225 : i32 to vector<16xi32>
        %add3A_227 = arith.addi %iota3A, %add3A_226 : vector<16xi32>
        %eq3A_228 = arith.constant 1 : i32
        %eq3A_229 = vector.broadcast %eq3A_228 : i32 to vector<16xi32>
        %eq3A_230 = arith.cmpi eq, %get3A_223, %eq3A_229 : vector<16xi32>
        %eq3A_231 = arith.constant 0 : i32
        %eq3A_232 = vector.broadcast %eq3A_231 : i32 to vector<16xi32>
        %eq3A_233 = arith.cmpi eq, %get3A_223, %eq3A_232 : vector<16xi32>
        %swap3A = arith.index_cast %scan3A_214 : i32 to index
        %swap3A_234 = tpu.vector_load %arg9[%swap3A] masked %eq3A_230 {strides = array<i32>} : memref<20496xi32, #tpu.memory_space<vmem>>, vector<16xi32>, vector<16xi1>
        tpu.vector_store %arg9[%swap3A], %add3A_227 masked %eq3A_230 {strides = array<i32>} : memref<20496xi32, #tpu.memory_space<vmem>>, vector<16xi32>, vector<16xi1>
        %swap3A_235 = arith.index_cast %scan3A_215 : i32 to index
        %swap3A_236 = tpu.vector_load %arg10[%swap3A_235] masked %eq3A_233 {strides = array<i32>} : memref<20752xi32, #tpu.memory_space<vmem>>, vector<16xi32>, vector<16xi1>
        tpu.vector_store %arg10[%swap3A_235], %add3A_227 masked %eq3A_233 {strides = array<i32>} : memref<20752xi32, #tpu.memory_space<vmem>>, vector<16xi32>, vector<16xi1>
        %all_reduce_population_count3A = tpu.all_reduce %eq3A_230 {dim = 0 : i64, kind = #tpu.reduction_kind<sum>} : vector<16xi1> -> vector<16xi32>
        %slice3A = vector.extract_strided_slice %all_reduce_population_count3A {offsets = [0], sizes = [1], strides = [1]} : vector<16xi32> to vector<1xi32>
        %squeeze3A = vector.extract %slice3A[0] : i32 from vector<1xi32>
        %add3A_237 = arith.addi %scan3A_214, %squeeze3A : i32
        %all_reduce_population_count3A_238 = tpu.all_reduce %eq3A_233 {dim = 0 : i64, kind = #tpu.reduction_kind<sum>} : vector<16xi1> -> vector<16xi32>
        %slice3A_239 = vector.extract_strided_slice %all_reduce_population_count3A_238 {offsets = [0], sizes = [1], strides = [1]} : vector<16xi32> to vector<1xi32>
        %squeeze3A_240 = vector.extract %slice3A_239[0] : i32 from vector<1xi32>
        %add3A_241 = arith.addi %scan3A_215, %squeeze3A_240 : i32
        %mul3A_242 = arith.constant 5 : i32
        %mul3A_243 = arith.muli %scan3A_213, %mul3A_242 : i32
        %add3A_244 = arith.constant 1 : i32
        %add3A_245 = arith.addi %mul3A_243, %add3A_244 : i32
        %mul3A_246 = arith.constant 16 : i32
        %mul3A_247 = arith.muli %add3A_245, %mul3A_246 : i32
        %get3A_248 = arith.index_cast %mul3A_247 : i32 to index
        %get3A_249 = tpu.vector_load %arg6[%get3A_248] {strides = array<i32>} : memref<20480xi32, #tpu.memory_space<vmem>>, vector<16xi32>,
        %mul3A_250 = arith.constant 16 : i32
        %mul3A_251 = arith.muli %add3A_245, %mul3A_250 : i32
        %add3A_252 = vector.broadcast %mul3A_251 : i32 to vector<16xi32>
        %add3A_253 = arith.addi %iota3A, %add3A_252 : vector<16xi32>
        %eq3A_254 = arith.constant 1 : i32
        %eq3A_255 = vector.broadcast %eq3A_254 : i32 to vector<16xi32>
        %eq3A_256 = arith.cmpi eq, %get3A_249, %eq3A_255 : vector<16xi32>
        %eq3A_257 = arith.constant 0 : i32
        %eq3A_258 = vector.broadcast %eq3A_257 : i32 to vector<16xi32>
        %eq3A_259 = arith.cmpi eq, %get3A_249, %eq3A_258 : vector<16xi32>
        %swap3A_260 = arith.index_cast %add3A_237 : i32 to index
        %swap3A_261 = tpu.vector_load %arg9[%swap3A_260] masked %eq3A_256 {strides = array<i32>} : memref<20496xi32, #tpu.memory_space<vmem>>, vector<16xi32>, vector<16xi1>
        tpu.vector_store %arg9[%swap3A_260], %add3A_253 masked %eq3A_256 {strides = array<i32>} : memref<20496xi32, #tpu.memory_space<vmem>>, vector<16xi32>, vector<16xi1>
        %swap3A_262 = arith.index_cast %add3A_241 : i32 to index
        %swap3A_263 = tpu.vector_load %arg10[%swap3A_262] masked %eq3A_259 {strides = array<i32>} : memref<20752xi32, #tpu.memory_space<vmem>>, vector<16xi32>, vector<16xi1>
        tpu.vector_store %arg10[%swap3A_262], %add3A_253 masked %eq3A_259 {strides = array<i32>} : memref<20752xi32, #tpu.memory_space<vmem>>, vector<16xi32>, vector<16xi1>
        %all_reduce_population_count3A_264 = tpu.all_reduce %eq3A_256 {dim = 0 : i64, kind = #tpu.reduction_kind<sum>} : vector<16xi1> -> vector<16xi32>
        %slice3A_265 = vector.extract_strided_slice %all_reduce_population_count3A_264 {offsets = [0], sizes = [1], strides = [1]} : vector<16xi32> to vector<1xi32>
        %squeeze3A_266 = vector.extract %slice3A_265[0] : i32 from vector<1xi32>
        %add3A_267 = arith.addi %add3A_237, %squeeze3A_266 : i32
        %all_reduce_population_count3A_268 = tpu.all_reduce %eq3A_259 {dim = 0 : i64, kind = #tpu.reduction_kind<sum>} : vector<16xi1> -> vector<16xi32>
        %slice3A_269 = vector.extract_strided_slice %all_reduce_population_count3A_268 {offsets = [0], sizes = [1], strides = [1]} : vector<16xi32> to vector<1xi32>
        %squeeze3A_270 = vector.extract %slice3A_269[0] : i32 from vector<1xi32>
        %add3A_271 = arith.addi %add3A_241, %squeeze3A_270 : i32
        %mul3A_272 = arith.constant 5 : i32
        %mul3A_273 = arith.muli %scan3A_213, %mul3A_272 : i32
        %add3A_274 = arith.constant 2 : i32
        %add3A_275 = arith.addi %mul3A_273, %add3A_274 : i32
        %mul3A_276 = arith.constant 16 : i32
        %mul3A_277 = arith.muli %add3A_275, %mul3A_276 : i32
        %get3A_278 = arith.index_cast %mul3A_277 : i32 to index
        %get3A_279 = tpu.vector_load %arg6[%get3A_278] {strides = array<i32>} : memref<20480xi32, #tpu.memory_space<vmem>>, vector<16xi32>,
        %mul3A_280 = arith.constant 16 : i32
        %mul3A_281 = arith.muli %add3A_275, %mul3A_280 : i32
        %add3A_282 = vector.broadcast %mul3A_281 : i32 to vector<16xi32>
        %add3A_283 = arith.addi %iota3A, %add3A_282 : vector<16xi32>
        %eq3A_284 = arith.constant 1 : i32
        %eq3A_285 = vector.broadcast %eq3A_284 : i32 to vector<16xi32>
        %eq3A_286 = arith.cmpi eq, %get3A_279, %eq3A_285 : vector<16xi32>
        %eq3A_287 = arith.constant 0 : i32
        %eq3A_288 = vector.broadcast %eq3A_287 : i32 to vector<16xi32>
        %eq3A_289 = arith.cmpi eq, %get3A_279, %eq3A_288 : vector<16xi32>
        %swap3A_290 = arith.index_cast %add3A_267 : i32 to index
        %swap3A_291 = tpu.vector_load %arg9[%swap3A_290] masked %eq3A_286 {strides = array<i32>} : memref<20496xi32, #tpu.memory_space<vmem>>, vector<16xi32>, vector<16xi1>
        tpu.vector_store %arg9[%swap3A_290], %add3A_283 masked %eq3A_286 {strides = array<i32>} : memref<20496xi32, #tpu.memory_space<vmem>>, vector<16xi32>, vector<16xi1>
        %swap3A_292 = arith.index_cast %add3A_271 : i32 to index
        %swap3A_293 = tpu.vector_load %arg10[%swap3A_292] masked %eq3A_289 {strides = array<i32>} : memref<20752xi32, #tpu.memory_space<vmem>>, vector<16xi32>, vector<16xi1>
        tpu.vector_store %arg10[%swap3A_292], %add3A_283 masked %eq3A_289 {strides = array<i32>} : memref<20752xi32, #tpu.memory_space<vmem>>, vector<16xi32>, vector<16xi1>
        %all_reduce_population_count3A_294 = tpu.all_reduce %eq3A_286 {dim = 0 : i64, kind = #tpu.reduction_kind<sum>} : vector<16xi1> -> vector<16xi32>
        %slice3A_295 = vector.extract_strided_slice %all_reduce_population_count3A_294 {offsets = [0], sizes = [1], strides = [1]} : vector<16xi32> to vector<1xi32>
        %squeeze3A_296 = vector.extract %slice3A_295[0] : i32 from vector<1xi32>
        %add3A_297 = arith.addi %add3A_267, %squeeze3A_296 : i32
        %all_reduce_population_count3A_298 = tpu.all_reduce %eq3A_289 {dim = 0 : i64, kind = #tpu.reduction_kind<sum>} : vector<16xi1> -> vector<16xi32>
        %slice3A_299 = vector.extract_strided_slice %all_reduce_population_count3A_298 {offsets = [0], sizes = [1], strides = [1]} : vector<16xi32> to vector<1xi32>
        %squeeze3A_300 = vector.extract %slice3A_299[0] : i32 from vector<1xi32>
        %add3A_301 = arith.addi %add3A_271, %squeeze3A_300 : i32
        %mul3A_302 = arith.constant 5 : i32
        %mul3A_303 = arith.muli %scan3A_213, %mul3A_302 : i32
        %add3A_304 = arith.constant 3 : i32
        %add3A_305 = arith.addi %mul3A_303, %add3A_304 : i32
        %mul3A_306 = arith.constant 16 : i32
        %mul3A_307 = arith.muli %add3A_305, %mul3A_306 : i32
        %get3A_308 = arith.index_cast %mul3A_307 : i32 to index
        %get3A_309 = tpu.vector_load %arg6[%get3A_308] {strides = array<i32>} : memref<20480xi32, #tpu.memory_space<vmem>>, vector<16xi32>,
        %mul3A_310 = arith.constant 16 : i32
        %mul3A_311 = arith.muli %add3A_305, %mul3A_310 : i32
        %add3A_312 = vector.broadcast %mul3A_311 : i32 to vector<16xi32>
        %add3A_313 = arith.addi %iota3A, %add3A_312 : vector<16xi32>
        %eq3A_314 = arith.constant 1 : i32
        %eq3A_315 = vector.broadcast %eq3A_314 : i32 to vector<16xi32>
        %eq3A_316 = arith.cmpi eq, %get3A_309, %eq3A_315 : vector<16xi32>
        %eq3A_317 = arith.constant 0 : i32
        %eq3A_318 = vector.broadcast %eq3A_317 : i32 to vector<16xi32>
        %eq3A_319 = arith.cmpi eq, %get3A_309, %eq3A_318 : vector<16xi32>
        %swap3A_320 = arith.index_cast %add3A_297 : i32 to index
        %swap3A_321 = tpu.vector_load %arg9[%swap3A_320] masked %eq3A_316 {strides = array<i32>} : memref<20496xi32, #tpu.memory_space<vmem>>, vector<16xi32>, vector<16xi1>
        tpu.vector_store %arg9[%swap3A_320], %add3A_313 masked %eq3A_316 {strides = array<i32>} : memref<20496xi32, #tpu.memory_space<vmem>>, vector<16xi32>, vector<16xi1>
        %swap3A_322 = arith.index_cast %add3A_301 : i32 to index
        %swap3A_323 = tpu.vector_load %arg10[%swap3A_322] masked %eq3A_319 {strides = array<i32>} : memref<20752xi32, #tpu.memory_space<vmem>>, vector<16xi32>, vector<16xi1>
        tpu.vector_store %arg10[%swap3A_322], %add3A_313 masked %eq3A_319 {strides = array<i32>} : memref<20752xi32, #tpu.memory_space<vmem>>, vector<16xi32>, vector<16xi1>
        %all_reduce_population_count3A_324 = tpu.all_reduce %eq3A_316 {dim = 0 : i64, kind = #tpu.reduction_kind<sum>} : vector<16xi1> -> vector<16xi32>
        %slice3A_325 = vector.extract_strided_slice %all_reduce_population_count3A_324 {offsets = [0], sizes = [1], strides = [1]} : vector<16xi32> to vector<1xi32>
        %squeeze3A_326 = vector.extract %slice3A_325[0] : i32 from vector<1xi32>
        %add3A_327 = arith.addi %add3A_297, %squeeze3A_326 : i32
        %all_reduce_population_count3A_328 = tpu.all_reduce %eq3A_319 {dim = 0 : i64, kind = #tpu.reduction_kind<sum>} : vector<16xi1> -> vector<16xi32>
        %slice3A_329 = vector.extract_strided_slice %all_reduce_population_count3A_328 {offsets = [0], sizes = [1], strides = [1]} : vector<16xi32> to vector<1xi32>
        %squeeze3A_330 = vector.extract %slice3A_329[0] : i32 from vector<1xi32>
        %add3A_331 = arith.addi %add3A_301, %squeeze3A_330 : i32
        %mul3A_332 = arith.constant 5 : i32
        %mul3A_333 = arith.muli %scan3A_213, %mul3A_332 : i32
        %add3A_334 = arith.constant 4 : i32
        %add3A_335 = arith.addi %mul3A_333, %add3A_334 : i32
        %mul3A_336 = arith.constant 16 : i32
        %mul3A_337 = arith.muli %add3A_335, %mul3A_336 : i32
        %get3A_338 = arith.index_cast %mul3A_337 : i32 to index
        %get3A_339 = tpu.vector_load %arg6[%get3A_338] {strides = array<i32>} : memref<20480xi32, #tpu.memory_space<vmem>>, vector<16xi32>,
        %mul3A_340 = arith.constant 16 : i32
        %mul3A_341 = arith.muli %add3A_335, %mul3A_340 : i32
        %add3A_342 = vector.broadcast %mul3A_341 : i32 to vector<16xi32>
        %add3A_343 = arith.addi %iota3A, %add3A_342 : vector<16xi32>
        %eq3A_344 = arith.constant 1 : i32
        %eq3A_345 = vector.broadcast %eq3A_344 : i32 to vector<16xi32>
        %eq3A_346 = arith.cmpi eq, %get3A_339, %eq3A_345 : vector<16xi32>
        %eq3A_347 = arith.constant 0 : i32
        %eq3A_348 = vector.broadcast %eq3A_347 : i32 to vector<16xi32>
        %eq3A_349 = arith.cmpi eq, %get3A_339, %eq3A_348 : vector<16xi32>
        %swap3A_350 = arith.index_cast %add3A_327 : i32 to index
        %swap3A_351 = tpu.vector_load %arg9[%swap3A_350] masked %eq3A_346 {strides = array<i32>} : memref<20496xi32, #tpu.memory_space<vmem>>, vector<16xi32>, vector<16xi1>
        tpu.vector_store %arg9[%swap3A_350], %add3A_343 masked %eq3A_346 {strides = array<i32>} : memref<20496xi32, #tpu.memory_space<vmem>>, vector<16xi32>, vector<16xi1>
        %swap3A_352 = arith.index_cast %add3A_331 : i32 to index
        %swap3A_353 = tpu.vector_load %arg10[%swap3A_352] masked %eq3A_349 {strides = array<i32>} : memref<20752xi32, #tpu.memory_space<vmem>>, vector<16xi32>, vector<16xi1>
        tpu.vector_store %arg10[%swap3A_352], %add3A_343 masked %eq3A_349 {strides = array<i32>} : memref<20752xi32, #tpu.memory_space<vmem>>, vector<16xi32>, vector<16xi1>
        %all_reduce_population_count3A_354 = tpu.all_reduce %eq3A_346 {dim = 0 : i64, kind = #tpu.reduction_kind<sum>} : vector<16xi1> -> vector<16xi32>
        %slice3A_355 = vector.extract_strided_slice %all_reduce_population_count3A_354 {offsets = [0], sizes = [1], strides = [1]} : vector<16xi32> to vector<1xi32>
        %squeeze3A_356 = vector.extract %slice3A_355[0] : i32 from vector<1xi32>
        %add3A_357 = arith.addi %add3A_327, %squeeze3A_356 : i32
        %all_reduce_population_count3A_358 = tpu.all_reduce %eq3A_349 {dim = 0 : i64, kind = #tpu.reduction_kind<sum>} : vector<16xi1> -> vector<16xi32>
        %slice3A_359 = vector.extract_strided_slice %all_reduce_population_count3A_358 {offsets = [0], sizes = [1], strides = [1]} : vector<16xi32> to vector<1xi32>
        %squeeze3A_360 = vector.extract %slice3A_359[0] : i32 from vector<1xi32>
        %add3A_361 = arith.addi %add3A_331, %squeeze3A_360 : i32
        scf.yield %add3A_357, %add3A_361 : i32, i32
      }
      %scan3A_65 = arith.constant 256 : i32
      %broadcast_in_dim3A_66 = arith.constant 0 : i32
      "tpu.trace_stop"() : () -> ()
      %broadcast_in_dim3A_67 = vector.broadcast %broadcast_in_dim3A_66 : i32 to vector<16xi32>
      %eq3A = arith.constant 0 : i32
      %eq3A_68 = vector.broadcast %eq3A : i32 to vector<16xi32>
      %eq3A_69 = arith.cmpi eq, %iota3A, %eq3A_68 : vector<16xi32>
      %jit3A = arith.constant 1 : i32
      %jit3A_70 = arith.constant 0 : i32
      %broadcast_in_dim3A_71 = vector.broadcast %jit3A : i32 to vector<16xi32>
      %broadcast_in_dim3A_72 = vector.broadcast %jit3A_70 : i32 to vector<16xi32>
      %select_n3A = arith.select %eq3A_69, %broadcast_in_dim3A_71, %broadcast_in_dim3A_72 : vector<16xi1>, vector<16xi32>
      %sub3A = arith.constant 128 : i32
      %sub3A_73 = arith.subi %scan3A_64#0, %sub3A : i32
      %gt3A = arith.constant 0 : i32
      "tpu.trace_start"() <{level = 10 : i32, message = "sc_shuffle_pos"}> : () -> ()
      %gt3A_74 = arith.cmpi sgt, %sub3A_73, %gt3A : i32
      %sub3A_75 = arith.subi %scan3A_64#0, %sub3A_73 : i32
      %jit3A_76 = arith.constant 0 : i32
      %select_n3A_77 = arith.select %gt3A_74, %sub3A_75, %jit3A_76 : i32
      %while3A = arith.constant 0 : i32
      %while3A_78 = arith.constant 0 : i32
      %while3A_79 = arith.subi %select_n3A_77, %while3A : i32
      %while3A_80 = arith.addi %while3A, %while3A_79 : i32
      %while3A_81 = arith.constant 1 : i32
      %while3A_82 = arith.divsi %while3A_79, %while3A_81 : i32
      %while3A_83 = arith.muli %while3A_82, %while3A_81 : i32
      %while3A_84 = arith.addi %while3A, %while3A_83 : i32
      %while3A_85 = arith.constant 1 : i32
      %while3A_86 = scf.for %while3A_213 = %while3A to %while3A_84 step %while3A_85 iter_args(%while3A_214 = %while3A_78) -> (i32)  : i32 {
        %sub3A_215 = arith.constant 1 : i32
        %sub3A_216 = arith.subi %scan3A_64#0, %sub3A_215 : i32
        %sub3A_217 = arith.subi %sub3A_216, %while3A_213 : i32
        %shift_right_arithmetic3A = arith.constant 1 : i32
        %shift_right_arithmetic3A_218 = arith.shrsi %sub3A_217, %shift_right_arithmetic3A : i32
        %or3A = arith.ori %sub3A_217, %shift_right_arithmetic3A_218 : i32
        %shift_right_arithmetic3A_219 = arith.constant 2 : i32
        %shift_right_arithmetic3A_220 = arith.shrsi %or3A, %shift_right_arithmetic3A_219 : i32
        %or3A_221 = arith.ori %or3A, %shift_right_arithmetic3A_220 : i32
        %shift_right_arithmetic3A_222 = arith.constant 4 : i32
        %shift_right_arithmetic3A_223 = arith.shrsi %or3A_221, %shift_right_arithmetic3A_222 : i32
        %or3A_224 = arith.ori %or3A_221, %shift_right_arithmetic3A_223 : i32
        %shift_right_arithmetic3A_225 = arith.constant 8 : i32
        %shift_right_arithmetic3A_226 = arith.shrsi %or3A_224, %shift_right_arithmetic3A_225 : i32
        %or3A_227 = arith.ori %or3A_224, %shift_right_arithmetic3A_226 : i32
        %shift_right_arithmetic3A_228 = arith.constant 16 : i32
        %shift_right_arithmetic3A_229 = arith.shrsi %or3A_227, %shift_right_arithmetic3A_228 : i32
        %or3A_230 = arith.ori %or3A_227, %shift_right_arithmetic3A_229 : i32
        %while3A_231 = scf.while (%while3A_273 = %while3A_214) : (i32) -> i32 {
          %get3A_274 = arith.index_cast %while3A_273 : i32 to index
          %get3A_275 = tpu.vector_load %arg8[%get3A_274] {strides = array<i32>} : memref<16400xi32, #tpu.memory_space<vmem>>, vector<16xi32>,
          %and3A_276 = vector.broadcast %or3A_230 : i32 to vector<16xi32>
          %and3A_277 = arith.andi %get3A_275, %and3A_276 : vector<16xi32>
          %le3A_278 = vector.broadcast %sub3A_217 : i32 to vector<16xi32>
          %le3A_279 = arith.cmpi sle, %and3A_277, %le3A_278 : vector<16xi32>
          %reduce_or3A = arith.constant 1.000000e+00 : f32
          %reduce_or3A_280 = arith.constant 0.000000e+00 : f32
          %reduce_or3A_281 = vector.broadcast %reduce_or3A : f32 to vector<16xf32>
          %reduce_or3A_282 = vector.broadcast %reduce_or3A_280 : f32 to vector<16xf32>
          %reduce_or3A_283 = arith.select %le3A_279, %reduce_or3A_281, %reduce_or3A_282 : vector<16xi1>, vector<16xf32>
          %reduce_or3A_284 = arith.constant true
          %reduce_or3A_285 = vector.broadcast %reduce_or3A_284 : i1 to vector<16xi1>
          %reduce_or3A_286 = tpu.scan <max>, %reduce_or3A_283 masked %reduce_or3A_285 : vector<16xf32>, vector<16xi1> -> vector<16xf32>
          %reduce_or3A_287 = vector.extract %reduce_or3A_286[15] : f32 from vector<16xf32>
          %reduce_or3A_288 = arith.constant 0.000000e+00 : f32
          %reduce_or3A_289 = arith.cmpf ogt, %reduce_or3A_287, %reduce_or3A_288 : f32
          %not3A = arith.constant true
          %not3A_290 = arith.xori %reduce_or3A_289, %not3A : i1
          %lt3A_291 = arith.constant 16384 : i32
          %lt3A_292 = arith.cmpi slt, %while3A_273, %lt3A_291 : i32
          %and3A_293 = arith.andi %not3A_290, %lt3A_292 : i1
          scf.condition(%and3A_293) %while3A_273 : i32
        } do {
        ^bb0(%while3A_273: i32):
          %add3A_274 = arith.constant 16 : i32
          %add3A_275 = arith.addi %while3A_273, %add3A_274 : i32
          scf.yield %add3A_275 : i32
        }
        %get3A_232 = arith.index_cast %while3A_231 : i32 to index
        %get3A_233 = tpu.vector_load %arg8[%get3A_232] {strides = array<i32>} : memref<16400xi32, #tpu.memory_space<vmem>>, vector<16xi32>,
        %and3A_234 = vector.broadcast %or3A_230 : i32 to vector<16xi32>
        %and3A_235 = arith.andi %get3A_233, %and3A_234 : vector<16xi32>
        %le3A = vector.broadcast %sub3A_217 : i32 to vector<16xi32>
        %le3A_236 = arith.cmpi sle, %and3A_235, %le3A : vector<16xi32>
        %all_reduce_ffs3A = tpu.all_reduce %le3A_236 {dim = 0 : i64, kind = #tpu.reduction_kind<find_first_set>} : vector<16xi1> -> vector<16xi32>
        %slice3A = vector.extract_strided_slice %all_reduce_ffs3A {offsets = [0], sizes = [1], strides = [1]} : vector<16xi32> to vector<1xi32>
        %squeeze3A = vector.extract %slice3A[0] : i32 from vector<1xi32>
        %add3A_237 = vector.broadcast %squeeze3A : i32 to vector<16xi32>
        %add3A_238 = arith.addi %broadcast_in_dim3A_67, %add3A_237 : vector<16xi32>
        %lt3A_239 = arith.constant 0 : i32
        %lt3A_240 = vector.broadcast %lt3A_239 : i32 to vector<16xi32>
        %lt3A_241 = arith.cmpi slt, %add3A_238, %lt3A_240 : vector<16xi32>
        %add3A_242 = arith.constant 16 : i32
        %add3A_243 = vector.broadcast %add3A_242 : i32 to vector<16xi32>
        %add3A_244 = arith.addi %add3A_238, %add3A_243 : vector<16xi32>
        %select_n3A_245 = arith.select %lt3A_241, %add3A_244, %add3A_238 : vector<16xi1>, vector<16xi32>
        %broadcast_in_dim3A_246 = vector.shape_cast %select_n3A_245 : vector<16xi32> to vector<16x1xi32>
        %gather3A = vector.shape_cast %broadcast_in_dim3A_246 : vector<16x1xi32> to vector<16xi32>
        %gather3A_247 = tpu.dynamic_gather %and3A_235[%gather3A] in [0] : vector<16xi32>, vector<16xi32> -> vector<16xi32>
        %slice3A_248 = vector.extract_strided_slice %gather3A_247 {offsets = [0], sizes = [1], strides = [1]} : vector<16xi32> to vector<1xi32>
        %squeeze3A_249 = vector.extract %slice3A_248[0] : i32 from vector<1xi32>
        %add3A_250 = arith.addi %while3A_231, %squeeze3A : i32
        %add3A_251 = arith.constant 1 : i32
        %add3A_252 = arith.addi %add3A_250, %add3A_251 : i32
        %eq3A_253 = arith.constant 0 : i32
        %eq3A_254 = vector.broadcast %eq3A_253 : i32 to vector<16xi32>
        %eq3A_255 = arith.cmpi eq, %iota3A, %eq3A_254 : vector<16xi32>
        %broadcast_in_dim3A_256 = vector.broadcast %sub3A_217 : i32 to vector<16xi32>
        %broadcast_in_dim3A_257 = vector.broadcast %squeeze3A_249 : i32 to vector<16xi32>
        %select_n3A_258 = arith.select %eq3A_255, %broadcast_in_dim3A_256, %broadcast_in_dim3A_257 : vector<16xi1>, vector<16xi32>
        %gather3A_259 = tpu.vector_load_idx %arg9[%select_n3A_258] : memref<20496xi32, #tpu.memory_space<vmem>>[vector<16xi32>], vector<16xi32>,
        %lt3A_260 = arith.constant 0 : i32
        %lt3A_261 = vector.broadcast %lt3A_260 : i32 to vector<16xi32>
        %lt3A_262 = arith.cmpi slt, %select_n3A, %lt3A_261 : vector<16xi32>
        %add3A_263 = arith.constant 16 : i32
        %add3A_264 = vector.broadcast %add3A_263 : i32 to vector<16xi32>
        %add3A_265 = arith.addi %select_n3A, %add3A_264 : vector<16xi32>
        %select_n3A_266 = arith.select %lt3A_262, %add3A_265, %select_n3A : vector<16xi1>, vector<16xi32>
        %broadcast_in_dim3A_267 = vector.shape_cast %select_n3A_266 : vector<16xi32> to vector<16x1xi32>
        %gather3A_268 = vector.shape_cast %broadcast_in_dim3A_267 : vector<16x1xi32> to vector<16xi32>
        %gather3A_269 = tpu.dynamic_gather %gather3A_259[%gather3A_268] in [0] : vector<16xi32>, vector<16xi32> -> vector<16xi32>
        %lt3A_270 = arith.constant 2 : i32
        %lt3A_271 = vector.broadcast %lt3A_270 : i32 to vector<16xi32>
        %lt3A_272 = arith.cmpi slt, %iota3A, %lt3A_271 : vector<16xi32>
        tpu.vector_store_idx %arg9[%select_n3A_258], %gather3A_269 masked %lt3A_272 : memref<20496xi32, #tpu.memory_space<vmem>>[vector<16xi32>], vector<16xi32>, vector<16xi1>
        scf.yield %add3A_252 : i32
      }
      %while3A_87 = arith.constant 1 : i32
      %while3A_88 = scf.for %while3A_213 = %while3A_84 to %while3A_80 step %while3A_87 iter_args(%while3A_214 = %while3A_86) -> (i32)  : i32 {
        %sub3A_215 = arith.constant 1 : i32
        %sub3A_216 = arith.subi %scan3A_64#0, %sub3A_215 : i32
        %sub3A_217 = arith.subi %sub3A_216, %while3A_213 : i32
        %shift_right_arithmetic3A = arith.constant 1 : i32
        %shift_right_arithmetic3A_218 = arith.shrsi %sub3A_217, %shift_right_arithmetic3A : i32
        %or3A = arith.ori %sub3A_217, %shift_right_arithmetic3A_218 : i32
        %shift_right_arithmetic3A_219 = arith.constant 2 : i32
        %shift_right_arithmetic3A_220 = arith.shrsi %or3A, %shift_right_arithmetic3A_219 : i32
        %or3A_221 = arith.ori %or3A, %shift_right_arithmetic3A_220 : i32
        %shift_right_arithmetic3A_222 = arith.constant 4 : i32
        %shift_right_arithmetic3A_223 = arith.shrsi %or3A_221, %shift_right_arithmetic3A_222 : i32
        %or3A_224 = arith.ori %or3A_221, %shift_right_arithmetic3A_223 : i32
        %shift_right_arithmetic3A_225 = arith.constant 8 : i32
        %shift_right_arithmetic3A_226 = arith.shrsi %or3A_224, %shift_right_arithmetic3A_225 : i32
        %or3A_227 = arith.ori %or3A_224, %shift_right_arithmetic3A_226 : i32
        %shift_right_arithmetic3A_228 = arith.constant 16 : i32
        %shift_right_arithmetic3A_229 = arith.shrsi %or3A_227, %shift_right_arithmetic3A_228 : i32
        %or3A_230 = arith.ori %or3A_227, %shift_right_arithmetic3A_229 : i32
        %while3A_231 = scf.while (%while3A_273 = %while3A_214) : (i32) -> i32 {
          %get3A_274 = arith.index_cast %while3A_273 : i32 to index
          %get3A_275 = tpu.vector_load %arg8[%get3A_274] {strides = array<i32>} : memref<16400xi32, #tpu.memory_space<vmem>>, vector<16xi32>,
          %and3A_276 = vector.broadcast %or3A_230 : i32 to vector<16xi32>
          %and3A_277 = arith.andi %get3A_275, %and3A_276 : vector<16xi32>
          %le3A_278 = vector.broadcast %sub3A_217 : i32 to vector<16xi32>
          %le3A_279 = arith.cmpi sle, %and3A_277, %le3A_278 : vector<16xi32>
          %reduce_or3A = arith.constant 1.000000e+00 : f32
          %reduce_or3A_280 = arith.constant 0.000000e+00 : f32
          %reduce_or3A_281 = vector.broadcast %reduce_or3A : f32 to vector<16xf32>
          %reduce_or3A_282 = vector.broadcast %reduce_or3A_280 : f32 to vector<16xf32>
          %reduce_or3A_283 = arith.select %le3A_279, %reduce_or3A_281, %reduce_or3A_282 : vector<16xi1>, vector<16xf32>
          %reduce_or3A_284 = arith.constant true
          %reduce_or3A_285 = vector.broadcast %reduce_or3A_284 : i1 to vector<16xi1>
          %reduce_or3A_286 = tpu.scan <max>, %reduce_or3A_283 masked %reduce_or3A_285 : vector<16xf32>, vector<16xi1> -> vector<16xf32>
          %reduce_or3A_287 = vector.extract %reduce_or3A_286[15] : f32 from vector<16xf32>
          %reduce_or3A_288 = arith.constant 0.000000e+00 : f32
          %reduce_or3A_289 = arith.cmpf ogt, %reduce_or3A_287, %reduce_or3A_288 : f32
          %not3A = arith.constant true
          %not3A_290 = arith.xori %reduce_or3A_289, %not3A : i1
          %lt3A_291 = arith.constant 16384 : i32
          %lt3A_292 = arith.cmpi slt, %while3A_273, %lt3A_291 : i32
          %and3A_293 = arith.andi %not3A_290, %lt3A_292 : i1
          scf.condition(%and3A_293) %while3A_273 : i32
        } do {
        ^bb0(%while3A_273: i32):
          %add3A_274 = arith.constant 16 : i32
          %add3A_275 = arith.addi %while3A_273, %add3A_274 : i32
          scf.yield %add3A_275 : i32
        }
        %get3A_232 = arith.index_cast %while3A_231 : i32 to index
        %get3A_233 = tpu.vector_load %arg8[%get3A_232] {strides = array<i32>} : memref<16400xi32, #tpu.memory_space<vmem>>, vector<16xi32>,
        %and3A_234 = vector.broadcast %or3A_230 : i32 to vector<16xi32>
        %and3A_235 = arith.andi %get3A_233, %and3A_234 : vector<16xi32>
        %le3A = vector.broadcast %sub3A_217 : i32 to vector<16xi32>
        %le3A_236 = arith.cmpi sle, %and3A_235, %le3A : vector<16xi32>
        %all_reduce_ffs3A = tpu.all_reduce %le3A_236 {dim = 0 : i64, kind = #tpu.reduction_kind<find_first_set>} : vector<16xi1> -> vector<16xi32>
        %slice3A = vector.extract_strided_slice %all_reduce_ffs3A {offsets = [0], sizes = [1], strides = [1]} : vector<16xi32> to vector<1xi32>
        %squeeze3A = vector.extract %slice3A[0] : i32 from vector<1xi32>
        %add3A_237 = vector.broadcast %squeeze3A : i32 to vector<16xi32>
        %add3A_238 = arith.addi %broadcast_in_dim3A_67, %add3A_237 : vector<16xi32>
        %lt3A_239 = arith.constant 0 : i32
        %lt3A_240 = vector.broadcast %lt3A_239 : i32 to vector<16xi32>
        %lt3A_241 = arith.cmpi slt, %add3A_238, %lt3A_240 : vector<16xi32>
        %add3A_242 = arith.constant 16 : i32
        %add3A_243 = vector.broadcast %add3A_242 : i32 to vector<16xi32>
        %add3A_244 = arith.addi %add3A_238, %add3A_243 : vector<16xi32>
        %select_n3A_245 = arith.select %lt3A_241, %add3A_244, %add3A_238 : vector<16xi1>, vector<16xi32>
        %broadcast_in_dim3A_246 = vector.shape_cast %select_n3A_245 : vector<16xi32> to vector<16x1xi32>
        %gather3A = vector.shape_cast %broadcast_in_dim3A_246 : vector<16x1xi32> to vector<16xi32>
        %gather3A_247 = tpu.dynamic_gather %and3A_235[%gather3A] in [0] : vector<16xi32>, vector<16xi32> -> vector<16xi32>
        %slice3A_248 = vector.extract_strided_slice %gather3A_247 {offsets = [0], sizes = [1], strides = [1]} : vector<16xi32> to vector<1xi32>
        %squeeze3A_249 = vector.extract %slice3A_248[0] : i32 from vector<1xi32>
        %add3A_250 = arith.addi %while3A_231, %squeeze3A : i32
        %add3A_251 = arith.constant 1 : i32
        %add3A_252 = arith.addi %add3A_250, %add3A_251 : i32
        %eq3A_253 = arith.constant 0 : i32
        %eq3A_254 = vector.broadcast %eq3A_253 : i32 to vector<16xi32>
        %eq3A_255 = arith.cmpi eq, %iota3A, %eq3A_254 : vector<16xi32>
        %broadcast_in_dim3A_256 = vector.broadcast %sub3A_217 : i32 to vector<16xi32>
        %broadcast_in_dim3A_257 = vector.broadcast %squeeze3A_249 : i32 to vector<16xi32>
        %select_n3A_258 = arith.select %eq3A_255, %broadcast_in_dim3A_256, %broadcast_in_dim3A_257 : vector<16xi1>, vector<16xi32>
        %gather3A_259 = tpu.vector_load_idx %arg9[%select_n3A_258] : memref<20496xi32, #tpu.memory_space<vmem>>[vector<16xi32>], vector<16xi32>,
        %lt3A_260 = arith.constant 0 : i32
        %lt3A_261 = vector.broadcast %lt3A_260 : i32 to vector<16xi32>
        %lt3A_262 = arith.cmpi slt, %select_n3A, %lt3A_261 : vector<16xi32>
        %add3A_263 = arith.constant 16 : i32
        %add3A_264 = vector.broadcast %add3A_263 : i32 to vector<16xi32>
        %add3A_265 = arith.addi %select_n3A, %add3A_264 : vector<16xi32>
        %select_n3A_266 = arith.select %lt3A_262, %add3A_265, %select_n3A : vector<16xi1>, vector<16xi32>
        %broadcast_in_dim3A_267 = vector.shape_cast %select_n3A_266 : vector<16xi32> to vector<16x1xi32>
        %gather3A_268 = vector.shape_cast %broadcast_in_dim3A_267 : vector<16x1xi32> to vector<16xi32>
        %gather3A_269 = tpu.dynamic_gather %gather3A_259[%gather3A_268] in [0] : vector<16xi32>, vector<16xi32> -> vector<16xi32>
        %lt3A_270 = arith.constant 2 : i32
        %lt3A_271 = vector.broadcast %lt3A_270 : i32 to vector<16xi32>
        %lt3A_272 = arith.cmpi slt, %iota3A, %lt3A_271 : vector<16xi32>
        tpu.vector_store_idx %arg9[%select_n3A_258], %gather3A_269 masked %lt3A_272 : memref<20496xi32, #tpu.memory_space<vmem>>[vector<16xi32>], vector<16xi32>, vector<16xi1>
        scf.yield %add3A_252 : i32
      }
      %gt3A_89 = arith.constant 0 : i32
      %gt3A_90 = arith.cmpi sgt, %sub3A_73, %gt3A_89 : i32
      %sub3A_91 = arith.constant 1 : i32
      %sub3A_92 = arith.subi %sub3A_73, %sub3A_91 : i32
      %jit3A_93 = arith.constant 0 : i32
      %select_n3A_94 = arith.select %gt3A_90, %sub3A_92, %jit3A_93 : i32
      %while3A_95 = arith.constant 0 : i32
      %while3A_96 = arith.subi %select_n3A_94, %while3A_95 : i32
      %while3A_97 = arith.addi %while3A_95, %while3A_96 : i32
      %while3A_98 = arith.constant 1 : i32
      %while3A_99 = arith.divsi %while3A_96, %while3A_98 : i32
      %while3A_100 = arith.muli %while3A_99, %while3A_98 : i32
      %while3A_101 = arith.addi %while3A_95, %while3A_100 : i32
      %while3A_102 = arith.constant 1 : i32
      %while3A_103 = scf.for %while3A_213 = %while3A_95 to %while3A_101 step %while3A_102 iter_args(%while3A_214 = %while3A_88) -> (i32)  : i32 {
        %sub3A_215 = arith.constant 1 : i32
        %sub3A_216 = arith.subi %sub3A_73, %sub3A_215 : i32
        %sub3A_217 = arith.subi %sub3A_216, %while3A_213 : i32
        %shift_right_arithmetic3A = arith.constant 1 : i32
        %shift_right_arithmetic3A_218 = arith.shrsi %sub3A_217, %shift_right_arithmetic3A : i32
        %or3A = arith.ori %sub3A_217, %shift_right_arithmetic3A_218 : i32
        %shift_right_arithmetic3A_219 = arith.constant 2 : i32
        %shift_right_arithmetic3A_220 = arith.shrsi %or3A, %shift_right_arithmetic3A_219 : i32
        %or3A_221 = arith.ori %or3A, %shift_right_arithmetic3A_220 : i32
        %shift_right_arithmetic3A_222 = arith.constant 4 : i32
        %shift_right_arithmetic3A_223 = arith.shrsi %or3A_221, %shift_right_arithmetic3A_222 : i32
        %or3A_224 = arith.ori %or3A_221, %shift_right_arithmetic3A_223 : i32
        %shift_right_arithmetic3A_225 = arith.constant 8 : i32
        %shift_right_arithmetic3A_226 = arith.shrsi %or3A_224, %shift_right_arithmetic3A_225 : i32
        %or3A_227 = arith.ori %or3A_224, %shift_right_arithmetic3A_226 : i32
        %shift_right_arithmetic3A_228 = arith.constant 16 : i32
        %shift_right_arithmetic3A_229 = arith.shrsi %or3A_227, %shift_right_arithmetic3A_228 : i32
        %or3A_230 = arith.ori %or3A_227, %shift_right_arithmetic3A_229 : i32
        %while3A_231 = scf.while (%while3A_253 = %while3A_214) : (i32) -> i32 {
          %get3A_254 = arith.index_cast %while3A_253 : i32 to index
          %get3A_255 = tpu.vector_load %arg8[%get3A_254] {strides = array<i32>} : memref<16400xi32, #tpu.memory_space<vmem>>, vector<16xi32>,
          %and3A_256 = vector.broadcast %or3A_230 : i32 to vector<16xi32>
          %and3A_257 = arith.andi %get3A_255, %and3A_256 : vector<16xi32>
          %le3A_258 = vector.broadcast %sub3A_217 : i32 to vector<16xi32>
          %le3A_259 = arith.cmpi sle, %and3A_257, %le3A_258 : vector<16xi32>
          %reduce_or3A = arith.constant 1.000000e+00 : f32
          %reduce_or3A_260 = arith.constant 0.000000e+00 : f32
          %reduce_or3A_261 = vector.broadcast %reduce_or3A : f32 to vector<16xf32>
          %reduce_or3A_262 = vector.broadcast %reduce_or3A_260 : f32 to vector<16xf32>
          %reduce_or3A_263 = arith.select %le3A_259, %reduce_or3A_261, %reduce_or3A_262 : vector<16xi1>, vector<16xf32>
          %reduce_or3A_264 = arith.constant true
          %reduce_or3A_265 = vector.broadcast %reduce_or3A_264 : i1 to vector<16xi1>
          %reduce_or3A_266 = tpu.scan <max>, %reduce_or3A_263 masked %reduce_or3A_265 : vector<16xf32>, vector<16xi1> -> vector<16xf32>
          %reduce_or3A_267 = vector.extract %reduce_or3A_266[15] : f32 from vector<16xf32>
          %reduce_or3A_268 = arith.constant 0.000000e+00 : f32
          %reduce_or3A_269 = arith.cmpf ogt, %reduce_or3A_267, %reduce_or3A_268 : f32
          %not3A = arith.constant true
          %not3A_270 = arith.xori %reduce_or3A_269, %not3A : i1
          %lt3A_271 = arith.constant 16384 : i32
          %lt3A_272 = arith.cmpi slt, %while3A_253, %lt3A_271 : i32
          %and3A_273 = arith.andi %not3A_270, %lt3A_272 : i1
          scf.condition(%and3A_273) %while3A_253 : i32
        } do {
        ^bb0(%while3A_253: i32):
          %add3A_254 = arith.constant 16 : i32
          %add3A_255 = arith.addi %while3A_253, %add3A_254 : i32
          scf.yield %add3A_255 : i32
        }
        %get3A_232 = arith.index_cast %while3A_231 : i32 to index
        %get3A_233 = tpu.vector_load %arg8[%get3A_232] {strides = array<i32>} : memref<16400xi32, #tpu.memory_space<vmem>>, vector<16xi32>,
        %and3A_234 = vector.broadcast %or3A_230 : i32 to vector<16xi32>
        %and3A_235 = arith.andi %get3A_233, %and3A_234 : vector<16xi32>
        %le3A = vector.broadcast %sub3A_217 : i32 to vector<16xi32>
        %le3A_236 = arith.cmpi sle, %and3A_235, %le3A : vector<16xi32>
        %all_reduce_ffs3A = tpu.all_reduce %le3A_236 {dim = 0 : i64, kind = #tpu.reduction_kind<find_first_set>} : vector<16xi1> -> vector<16xi32>
        %slice3A = vector.extract_strided_slice %all_reduce_ffs3A {offsets = [0], sizes = [1], strides = [1]} : vector<16xi32> to vector<1xi32>
        %squeeze3A = vector.extract %slice3A[0] : i32 from vector<1xi32>
        %add3A_237 = vector.broadcast %squeeze3A : i32 to vector<16xi32>
        %add3A_238 = arith.addi %broadcast_in_dim3A_67, %add3A_237 : vector<16xi32>
        %lt3A_239 = arith.constant 0 : i32
        %lt3A_240 = vector.broadcast %lt3A_239 : i32 to vector<16xi32>
        %lt3A_241 = arith.cmpi slt, %add3A_238, %lt3A_240 : vector<16xi32>
        %add3A_242 = arith.constant 16 : i32
        %add3A_243 = vector.broadcast %add3A_242 : i32 to vector<16xi32>
        %add3A_244 = arith.addi %add3A_238, %add3A_243 : vector<16xi32>
        %select_n3A_245 = arith.select %lt3A_241, %add3A_244, %add3A_238 : vector<16xi1>, vector<16xi32>
        %broadcast_in_dim3A_246 = vector.shape_cast %select_n3A_245 : vector<16xi32> to vector<16x1xi32>
        %gather3A = vector.shape_cast %broadcast_in_dim3A_246 : vector<16x1xi32> to vector<16xi32>
        %gather3A_247 = tpu.dynamic_gather %and3A_235[%gather3A] in [0] : vector<16xi32>, vector<16xi32> -> vector<16xi32>
        %slice3A_248 = vector.extract_strided_slice %gather3A_247 {offsets = [0], sizes = [1], strides = [1]} : vector<16xi32> to vector<1xi32>
        %squeeze3A_249 = vector.extract %slice3A_248[0] : i32 from vector<1xi32>
        %add3A_250 = arith.addi %while3A_231, %squeeze3A : i32
        %add3A_251 = arith.constant 1 : i32
        %add3A_252 = arith.addi %add3A_250, %add3A_251 : i32
        scf.yield %add3A_252 : i32
      }
      %while3A_104 = arith.constant 1 : i32
      %while3A_105 = scf.for %while3A_213 = %while3A_101 to %while3A_97 step %while3A_104 iter_args(%while3A_214 = %while3A_103) -> (i32)  : i32 {
        %sub3A_215 = arith.constant 1 : i32
        %sub3A_216 = arith.subi %sub3A_73, %sub3A_215 : i32
        %sub3A_217 = arith.subi %sub3A_216, %while3A_213 : i32
        %shift_right_arithmetic3A = arith.constant 1 : i32
        %shift_right_arithmetic3A_218 = arith.shrsi %sub3A_217, %shift_right_arithmetic3A : i32
        %or3A = arith.ori %sub3A_217, %shift_right_arithmetic3A_218 : i32
        %shift_right_arithmetic3A_219 = arith.constant 2 : i32
        %shift_right_arithmetic3A_220 = arith.shrsi %or3A, %shift_right_arithmetic3A_219 : i32
        %or3A_221 = arith.ori %or3A, %shift_right_arithmetic3A_220 : i32
        %shift_right_arithmetic3A_222 = arith.constant 4 : i32
        %shift_right_arithmetic3A_223 = arith.shrsi %or3A_221, %shift_right_arithmetic3A_222 : i32
        %or3A_224 = arith.ori %or3A_221, %shift_right_arithmetic3A_223 : i32
        %shift_right_arithmetic3A_225 = arith.constant 8 : i32
        %shift_right_arithmetic3A_226 = arith.shrsi %or3A_224, %shift_right_arithmetic3A_225 : i32
        %or3A_227 = arith.ori %or3A_224, %shift_right_arithmetic3A_226 : i32
        %shift_right_arithmetic3A_228 = arith.constant 16 : i32
        %shift_right_arithmetic3A_229 = arith.shrsi %or3A_227, %shift_right_arithmetic3A_228 : i32
        %or3A_230 = arith.ori %or3A_227, %shift_right_arithmetic3A_229 : i32
        %while3A_231 = scf.while (%while3A_253 = %while3A_214) : (i32) -> i32 {
          %get3A_254 = arith.index_cast %while3A_253 : i32 to index
          %get3A_255 = tpu.vector_load %arg8[%get3A_254] {strides = array<i32>} : memref<16400xi32, #tpu.memory_space<vmem>>, vector<16xi32>,
          %and3A_256 = vector.broadcast %or3A_230 : i32 to vector<16xi32>
          %and3A_257 = arith.andi %get3A_255, %and3A_256 : vector<16xi32>
          %le3A_258 = vector.broadcast %sub3A_217 : i32 to vector<16xi32>
          %le3A_259 = arith.cmpi sle, %and3A_257, %le3A_258 : vector<16xi32>
          %reduce_or3A = arith.constant 1.000000e+00 : f32
          %reduce_or3A_260 = arith.constant 0.000000e+00 : f32
          %reduce_or3A_261 = vector.broadcast %reduce_or3A : f32 to vector<16xf32>
          %reduce_or3A_262 = vector.broadcast %reduce_or3A_260 : f32 to vector<16xf32>
          %reduce_or3A_263 = arith.select %le3A_259, %reduce_or3A_261, %reduce_or3A_262 : vector<16xi1>, vector<16xf32>
          %reduce_or3A_264 = arith.constant true
          %reduce_or3A_265 = vector.broadcast %reduce_or3A_264 : i1 to vector<16xi1>
          %reduce_or3A_266 = tpu.scan <max>, %reduce_or3A_263 masked %reduce_or3A_265 : vector<16xf32>, vector<16xi1> -> vector<16xf32>
          %reduce_or3A_267 = vector.extract %reduce_or3A_266[15] : f32 from vector<16xf32>
          %reduce_or3A_268 = arith.constant 0.000000e+00 : f32
          %reduce_or3A_269 = arith.cmpf ogt, %reduce_or3A_267, %reduce_or3A_268 : f32
          %not3A = arith.constant true
          %not3A_270 = arith.xori %reduce_or3A_269, %not3A : i1
          %lt3A_271 = arith.constant 16384 : i32
          %lt3A_272 = arith.cmpi slt, %while3A_253, %lt3A_271 : i32
          %and3A_273 = arith.andi %not3A_270, %lt3A_272 : i1
          scf.condition(%and3A_273) %while3A_253 : i32
        } do {
        ^bb0(%while3A_253: i32):
          %add3A_254 = arith.constant 16 : i32
          %add3A_255 = arith.addi %while3A_253, %add3A_254 : i32
          scf.yield %add3A_255 : i32
        }
        %get3A_232 = arith.index_cast %while3A_231 : i32 to index
        %get3A_233 = tpu.vector_load %arg8[%get3A_232] {strides = array<i32>} : memref<16400xi32, #tpu.memory_space<vmem>>, vector<16xi32>,
        %and3A_234 = vector.broadcast %or3A_230 : i32 to vector<16xi32>
        %and3A_235 = arith.andi %get3A_233, %and3A_234 : vector<16xi32>
        %le3A = vector.broadcast %sub3A_217 : i32 to vector<16xi32>
        %le3A_236 = arith.cmpi sle, %and3A_235, %le3A : vector<16xi32>
        %all_reduce_ffs3A = tpu.all_reduce %le3A_236 {dim = 0 : i64, kind = #tpu.reduction_kind<find_first_set>} : vector<16xi1> -> vector<16xi32>
        %slice3A = vector.extract_strided_slice %all_reduce_ffs3A {offsets = [0], sizes = [1], strides = [1]} : vector<16xi32> to vector<1xi32>
        %squeeze3A = vector.extract %slice3A[0] : i32 from vector<1xi32>
        %add3A_237 = vector.broadcast %squeeze3A : i32 to vector<16xi32>
        %add3A_238 = arith.addi %broadcast_in_dim3A_67, %add3A_237 : vector<16xi32>
        %lt3A_239 = arith.constant 0 : i32
        %lt3A_240 = vector.broadcast %lt3A_239 : i32 to vector<16xi32>
        %lt3A_241 = arith.cmpi slt, %add3A_238, %lt3A_240 : vector<16xi32>
        %add3A_242 = arith.constant 16 : i32
        %add3A_243 = vector.broadcast %add3A_242 : i32 to vector<16xi32>
        %add3A_244 = arith.addi %add3A_238, %add3A_243 : vector<16xi32>
        %select_n3A_245 = arith.select %lt3A_241, %add3A_244, %add3A_238 : vector<16xi1>, vector<16xi32>
        %broadcast_in_dim3A_246 = vector.shape_cast %select_n3A_245 : vector<16xi32> to vector<16x1xi32>
        %gather3A = vector.shape_cast %broadcast_in_dim3A_246 : vector<16x1xi32> to vector<16xi32>
        %gather3A_247 = tpu.dynamic_gather %and3A_235[%gather3A] in [0] : vector<16xi32>, vector<16xi32> -> vector<16xi32>
        %slice3A_248 = vector.extract_strided_slice %gather3A_247 {offsets = [0], sizes = [1], strides = [1]} : vector<16xi32> to vector<1xi32>
        %squeeze3A_249 = vector.extract %slice3A_248[0] : i32 from vector<1xi32>
        %add3A_250 = arith.addi %while3A_231, %squeeze3A : i32
        %add3A_251 = arith.constant 1 : i32
        %add3A_252 = arith.addi %add3A_250, %add3A_251 : i32
        scf.yield %add3A_252 : i32
      }
      "tpu.trace_stop"() : () -> ()
      %max3A = arith.constant 0 : i32
      %max3A_106 = arith.maxsi %sub3A_73, %max3A : i32
      %sub3A_107 = arith.subi %scan3A_64#0, %max3A_106 : i32
      %sub3A_108 = arith.constant 256 : i32
      %sub3A_109 = arith.subi %sub3A_108, %sub3A_107 : i32
      %sub3A_110 = arith.subi %scan3A_64#1, %sub3A_109 : i32
      %gt3A_111 = arith.constant 0 : i32
      "tpu.trace_start"() <{level = 10 : i32, message = "sc_shuffle_neg"}> : () -> ()
      %gt3A_112 = arith.cmpi sgt, %sub3A_110, %gt3A_111 : i32
      %sub3A_113 = arith.subi %scan3A_64#1, %sub3A_110 : i32
      %jit3A_114 = arith.constant 0 : i32
      %select_n3A_115 = arith.select %gt3A_112, %sub3A_113, %jit3A_114 : i32
      %while3A_116 = arith.constant 0 : i32
      %while3A_117 = arith.subi %select_n3A_115, %while3A_116 : i32
      %while3A_118 = arith.addi %while3A_116, %while3A_117 : i32
      %while3A_119 = arith.constant 1 : i32
      %while3A_120 = arith.divsi %while3A_117, %while3A_119 : i32
      %while3A_121 = arith.muli %while3A_120, %while3A_119 : i32
      %while3A_122 = arith.addi %while3A_116, %while3A_121 : i32
      %while3A_123 = arith.constant 1 : i32
      %while3A_124 = scf.for %while3A_213 = %while3A_116 to %while3A_122 step %while3A_123 iter_args(%while3A_214 = %while3A_105) -> (i32)  : i32 {
        %sub3A_215 = arith.constant 1 : i32
        %sub3A_216 = arith.subi %scan3A_64#1, %sub3A_215 : i32
        %sub3A_217 = arith.subi %sub3A_216, %while3A_213 : i32
        %shift_right_arithmetic3A = arith.constant 1 : i32
        %shift_right_arithmetic3A_218 = arith.shrsi %sub3A_217, %shift_right_arithmetic3A : i32
        %or3A = arith.ori %sub3A_217, %shift_right_arithmetic3A_218 : i32
        %shift_right_arithmetic3A_219 = arith.constant 2 : i32
        %shift_right_arithmetic3A_220 = arith.shrsi %or3A, %shift_right_arithmetic3A_219 : i32
        %or3A_221 = arith.ori %or3A, %shift_right_arithmetic3A_220 : i32
        %shift_right_arithmetic3A_222 = arith.constant 4 : i32
        %shift_right_arithmetic3A_223 = arith.shrsi %or3A_221, %shift_right_arithmetic3A_222 : i32
        %or3A_224 = arith.ori %or3A_221, %shift_right_arithmetic3A_223 : i32
        %shift_right_arithmetic3A_225 = arith.constant 8 : i32
        %shift_right_arithmetic3A_226 = arith.shrsi %or3A_224, %shift_right_arithmetic3A_225 : i32
        %or3A_227 = arith.ori %or3A_224, %shift_right_arithmetic3A_226 : i32
        %shift_right_arithmetic3A_228 = arith.constant 16 : i32
        %shift_right_arithmetic3A_229 = arith.shrsi %or3A_227, %shift_right_arithmetic3A_228 : i32
        %or3A_230 = arith.ori %or3A_227, %shift_right_arithmetic3A_229 : i32
        %while3A_231 = scf.while (%while3A_273 = %while3A_214) : (i32) -> i32 {
          %get3A_274 = arith.index_cast %while3A_273 : i32 to index
          %get3A_275 = tpu.vector_load %arg8[%get3A_274] {strides = array<i32>} : memref<16400xi32, #tpu.memory_space<vmem>>, vector<16xi32>,
          %and3A_276 = vector.broadcast %or3A_230 : i32 to vector<16xi32>
          %and3A_277 = arith.andi %get3A_275, %and3A_276 : vector<16xi32>
          %le3A_278 = vector.broadcast %sub3A_217 : i32 to vector<16xi32>
          %le3A_279 = arith.cmpi sle, %and3A_277, %le3A_278 : vector<16xi32>
          %reduce_or3A = arith.constant 1.000000e+00 : f32
          %reduce_or3A_280 = arith.constant 0.000000e+00 : f32
          %reduce_or3A_281 = vector.broadcast %reduce_or3A : f32 to vector<16xf32>
          %reduce_or3A_282 = vector.broadcast %reduce_or3A_280 : f32 to vector<16xf32>
          %reduce_or3A_283 = arith.select %le3A_279, %reduce_or3A_281, %reduce_or3A_282 : vector<16xi1>, vector<16xf32>
          %reduce_or3A_284 = arith.constant true
          %reduce_or3A_285 = vector.broadcast %reduce_or3A_284 : i1 to vector<16xi1>
          %reduce_or3A_286 = tpu.scan <max>, %reduce_or3A_283 masked %reduce_or3A_285 : vector<16xf32>, vector<16xi1> -> vector<16xf32>
          %reduce_or3A_287 = vector.extract %reduce_or3A_286[15] : f32 from vector<16xf32>
          %reduce_or3A_288 = arith.constant 0.000000e+00 : f32
          %reduce_or3A_289 = arith.cmpf ogt, %reduce_or3A_287, %reduce_or3A_288 : f32
          %not3A = arith.constant true
          %not3A_290 = arith.xori %reduce_or3A_289, %not3A : i1
          %lt3A_291 = arith.constant 16384 : i32
          %lt3A_292 = arith.cmpi slt, %while3A_273, %lt3A_291 : i32
          %and3A_293 = arith.andi %not3A_290, %lt3A_292 : i1
          scf.condition(%and3A_293) %while3A_273 : i32
        } do {
        ^bb0(%while3A_273: i32):
          %add3A_274 = arith.constant 16 : i32
          %add3A_275 = arith.addi %while3A_273, %add3A_274 : i32
          scf.yield %add3A_275 : i32
        }
        %get3A_232 = arith.index_cast %while3A_231 : i32 to index
        %get3A_233 = tpu.vector_load %arg8[%get3A_232] {strides = array<i32>} : memref<16400xi32, #tpu.memory_space<vmem>>, vector<16xi32>,
        %and3A_234 = vector.broadcast %or3A_230 : i32 to vector<16xi32>
        %and3A_235 = arith.andi %get3A_233, %and3A_234 : vector<16xi32>
        %le3A = vector.broadcast %sub3A_217 : i32 to vector<16xi32>
        %le3A_236 = arith.cmpi sle, %and3A_235, %le3A : vector<16xi32>
        %all_reduce_ffs3A = tpu.all_reduce %le3A_236 {dim = 0 : i64, kind = #tpu.reduction_kind<find_first_set>} : vector<16xi1> -> vector<16xi32>
        %slice3A = vector.extract_strided_slice %all_reduce_ffs3A {offsets = [0], sizes = [1], strides = [1]} : vector<16xi32> to vector<1xi32>
        %squeeze3A = vector.extract %slice3A[0] : i32 from vector<1xi32>
        %add3A_237 = vector.broadcast %squeeze3A : i32 to vector<16xi32>
        %add3A_238 = arith.addi %broadcast_in_dim3A_67, %add3A_237 : vector<16xi32>
        %lt3A_239 = arith.constant 0 : i32
        %lt3A_240 = vector.broadcast %lt3A_239 : i32 to vector<16xi32>
        %lt3A_241 = arith.cmpi slt, %add3A_238, %lt3A_240 : vector<16xi32>
        %add3A_242 = arith.constant 16 : i32
        %add3A_243 = vector.broadcast %add3A_242 : i32 to vector<16xi32>
        %add3A_244 = arith.addi %add3A_238, %add3A_243 : vector<16xi32>
        %select_n3A_245 = arith.select %lt3A_241, %add3A_244, %add3A_238 : vector<16xi1>, vector<16xi32>
        %broadcast_in_dim3A_246 = vector.shape_cast %select_n3A_245 : vector<16xi32> to vector<16x1xi32>
        %gather3A = vector.shape_cast %broadcast_in_dim3A_246 : vector<16x1xi32> to vector<16xi32>
        %gather3A_247 = tpu.dynamic_gather %and3A_235[%gather3A] in [0] : vector<16xi32>, vector<16xi32> -> vector<16xi32>
        %slice3A_248 = vector.extract_strided_slice %gather3A_247 {offsets = [0], sizes = [1], strides = [1]} : vector<16xi32> to vector<1xi32>
        %squeeze3A_249 = vector.extract %slice3A_248[0] : i32 from vector<1xi32>
        %add3A_250 = arith.addi %while3A_231, %squeeze3A : i32
        %add3A_251 = arith.constant 1 : i32
        %add3A_252 = arith.addi %add3A_250, %add3A_251 : i32
        %eq3A_253 = arith.constant 0 : i32
        %eq3A_254 = vector.broadcast %eq3A_253 : i32 to vector<16xi32>
        %eq3A_255 = arith.cmpi eq, %iota3A, %eq3A_254 : vector<16xi32>
        %broadcast_in_dim3A_256 = vector.broadcast %sub3A_217 : i32 to vector<16xi32>
        %broadcast_in_dim3A_257 = vector.broadcast %squeeze3A_249 : i32 to vector<16xi32>
        %select_n3A_258 = arith.select %eq3A_255, %broadcast_in_dim3A_256, %broadcast_in_dim3A_257 : vector<16xi1>, vector<16xi32>
        %gather3A_259 = tpu.vector_load_idx %arg10[%select_n3A_258] : memref<20752xi32, #tpu.memory_space<vmem>>[vector<16xi32>], vector<16xi32>,
        %lt3A_260 = arith.constant 0 : i32
        %lt3A_261 = vector.broadcast %lt3A_260 : i32 to vector<16xi32>
        %lt3A_262 = arith.cmpi slt, %select_n3A, %lt3A_261 : vector<16xi32>
        %add3A_263 = arith.constant 16 : i32
        %add3A_264 = vector.broadcast %add3A_263 : i32 to vector<16xi32>
        %add3A_265 = arith.addi %select_n3A, %add3A_264 : vector<16xi32>
        %select_n3A_266 = arith.select %lt3A_262, %add3A_265, %select_n3A : vector<16xi1>, vector<16xi32>
        %broadcast_in_dim3A_267 = vector.shape_cast %select_n3A_266 : vector<16xi32> to vector<16x1xi32>
        %gather3A_268 = vector.shape_cast %broadcast_in_dim3A_267 : vector<16x1xi32> to vector<16xi32>
        %gather3A_269 = tpu.dynamic_gather %gather3A_259[%gather3A_268] in [0] : vector<16xi32>, vector<16xi32> -> vector<16xi32>
        %lt3A_270 = arith.constant 2 : i32
        %lt3A_271 = vector.broadcast %lt3A_270 : i32 to vector<16xi32>
        %lt3A_272 = arith.cmpi slt, %iota3A, %lt3A_271 : vector<16xi32>
        tpu.vector_store_idx %arg10[%select_n3A_258], %gather3A_269 masked %lt3A_272 : memref<20752xi32, #tpu.memory_space<vmem>>[vector<16xi32>], vector<16xi32>, vector<16xi1>
        scf.yield %add3A_252 : i32
      }
      %while3A_125 = arith.constant 1 : i32
      %while3A_126 = scf.for %while3A_213 = %while3A_122 to %while3A_118 step %while3A_125 iter_args(%while3A_214 = %while3A_124) -> (i32)  : i32 {
        %sub3A_215 = arith.constant 1 : i32
        %sub3A_216 = arith.subi %scan3A_64#1, %sub3A_215 : i32
        %sub3A_217 = arith.subi %sub3A_216, %while3A_213 : i32
        %shift_right_arithmetic3A = arith.constant 1 : i32
        %shift_right_arithmetic3A_218 = arith.shrsi %sub3A_217, %shift_right_arithmetic3A : i32
        %or3A = arith.ori %sub3A_217, %shift_right_arithmetic3A_218 : i32
        %shift_right_arithmetic3A_219 = arith.constant 2 : i32
        %shift_right_arithmetic3A_220 = arith.shrsi %or3A, %shift_right_arithmetic3A_219 : i32
        %or3A_221 = arith.ori %or3A, %shift_right_arithmetic3A_220 : i32
        %shift_right_arithmetic3A_222 = arith.constant 4 : i32
        %shift_right_arithmetic3A_223 = arith.shrsi %or3A_221, %shift_right_arithmetic3A_222 : i32
        %or3A_224 = arith.ori %or3A_221, %shift_right_arithmetic3A_223 : i32
        %shift_right_arithmetic3A_225 = arith.constant 8 : i32
        %shift_right_arithmetic3A_226 = arith.shrsi %or3A_224, %shift_right_arithmetic3A_225 : i32
        %or3A_227 = arith.ori %or3A_224, %shift_right_arithmetic3A_226 : i32
        %shift_right_arithmetic3A_228 = arith.constant 16 : i32
        %shift_right_arithmetic3A_229 = arith.shrsi %or3A_227, %shift_right_arithmetic3A_228 : i32
        %or3A_230 = arith.ori %or3A_227, %shift_right_arithmetic3A_229 : i32
        %while3A_231 = scf.while (%while3A_273 = %while3A_214) : (i32) -> i32 {
          %get3A_274 = arith.index_cast %while3A_273 : i32 to index
          %get3A_275 = tpu.vector_load %arg8[%get3A_274] {strides = array<i32>} : memref<16400xi32, #tpu.memory_space<vmem>>, vector<16xi32>,
          %and3A_276 = vector.broadcast %or3A_230 : i32 to vector<16xi32>
          %and3A_277 = arith.andi %get3A_275, %and3A_276 : vector<16xi32>
          %le3A_278 = vector.broadcast %sub3A_217 : i32 to vector<16xi32>
          %le3A_279 = arith.cmpi sle, %and3A_277, %le3A_278 : vector<16xi32>
          %reduce_or3A = arith.constant 1.000000e+00 : f32
          %reduce_or3A_280 = arith.constant 0.000000e+00 : f32
          %reduce_or3A_281 = vector.broadcast %reduce_or3A : f32 to vector<16xf32>
          %reduce_or3A_282 = vector.broadcast %reduce_or3A_280 : f32 to vector<16xf32>
          %reduce_or3A_283 = arith.select %le3A_279, %reduce_or3A_281, %reduce_or3A_282 : vector<16xi1>, vector<16xf32>
          %reduce_or3A_284 = arith.constant true
          %reduce_or3A_285 = vector.broadcast %reduce_or3A_284 : i1 to vector<16xi1>
          %reduce_or3A_286 = tpu.scan <max>, %reduce_or3A_283 masked %reduce_or3A_285 : vector<16xf32>, vector<16xi1> -> vector<16xf32>
          %reduce_or3A_287 = vector.extract %reduce_or3A_286[15] : f32 from vector<16xf32>
          %reduce_or3A_288 = arith.constant 0.000000e+00 : f32
          %reduce_or3A_289 = arith.cmpf ogt, %reduce_or3A_287, %reduce_or3A_288 : f32
          %not3A = arith.constant true
          %not3A_290 = arith.xori %reduce_or3A_289, %not3A : i1
          %lt3A_291 = arith.constant 16384 : i32
          %lt3A_292 = arith.cmpi slt, %while3A_273, %lt3A_291 : i32
          %and3A_293 = arith.andi %not3A_290, %lt3A_292 : i1
          scf.condition(%and3A_293) %while3A_273 : i32
        } do {
        ^bb0(%while3A_273: i32):
          %add3A_274 = arith.constant 16 : i32
          %add3A_275 = arith.addi %while3A_273, %add3A_274 : i32
          scf.yield %add3A_275 : i32
        }
        %get3A_232 = arith.index_cast %while3A_231 : i32 to index
        %get3A_233 = tpu.vector_load %arg8[%get3A_232] {strides = array<i32>} : memref<16400xi32, #tpu.memory_space<vmem>>, vector<16xi32>,
        %and3A_234 = vector.broadcast %or3A_230 : i32 to vector<16xi32>
        %and3A_235 = arith.andi %get3A_233, %and3A_234 : vector<16xi32>
        %le3A = vector.broadcast %sub3A_217 : i32 to vector<16xi32>
        %le3A_236 = arith.cmpi sle, %and3A_235, %le3A : vector<16xi32>
        %all_reduce_ffs3A = tpu.all_reduce %le3A_236 {dim = 0 : i64, kind = #tpu.reduction_kind<find_first_set>} : vector<16xi1> -> vector<16xi32>
        %slice3A = vector.extract_strided_slice %all_reduce_ffs3A {offsets = [0], sizes = [1], strides = [1]} : vector<16xi32> to vector<1xi32>
        %squeeze3A = vector.extract %slice3A[0] : i32 from vector<1xi32>
        %add3A_237 = vector.broadcast %squeeze3A : i32 to vector<16xi32>
        %add3A_238 = arith.addi %broadcast_in_dim3A_67, %add3A_237 : vector<16xi32>
        %lt3A_239 = arith.constant 0 : i32
        %lt3A_240 = vector.broadcast %lt3A_239 : i32 to vector<16xi32>
        %lt3A_241 = arith.cmpi slt, %add3A_238, %lt3A_240 : vector<16xi32>
        %add3A_242 = arith.constant 16 : i32
        %add3A_243 = vector.broadcast %add3A_242 : i32 to vector<16xi32>
        %add3A_244 = arith.addi %add3A_238, %add3A_243 : vector<16xi32>
        %select_n3A_245 = arith.select %lt3A_241, %add3A_244, %add3A_238 : vector<16xi1>, vector<16xi32>
        %broadcast_in_dim3A_246 = vector.shape_cast %select_n3A_245 : vector<16xi32> to vector<16x1xi32>
        %gather3A = vector.shape_cast %broadcast_in_dim3A_246 : vector<16x1xi32> to vector<16xi32>
        %gather3A_247 = tpu.dynamic_gather %and3A_235[%gather3A] in [0] : vector<16xi32>, vector<16xi32> -> vector<16xi32>
        %slice3A_248 = vector.extract_strided_slice %gather3A_247 {offsets = [0], sizes = [1], strides = [1]} : vector<16xi32> to vector<1xi32>
        %squeeze3A_249 = vector.extract %slice3A_248[0] : i32 from vector<1xi32>
        %add3A_250 = arith.addi %while3A_231, %squeeze3A : i32
        %add3A_251 = arith.constant 1 : i32
        %add3A_252 = arith.addi %add3A_250, %add3A_251 : i32
        %eq3A_253 = arith.constant 0 : i32
        %eq3A_254 = vector.broadcast %eq3A_253 : i32 to vector<16xi32>
        %eq3A_255 = arith.cmpi eq, %iota3A, %eq3A_254 : vector<16xi32>
        %broadcast_in_dim3A_256 = vector.broadcast %sub3A_217 : i32 to vector<16xi32>
        %broadcast_in_dim3A_257 = vector.broadcast %squeeze3A_249 : i32 to vector<16xi32>
        %select_n3A_258 = arith.select %eq3A_255, %broadcast_in_dim3A_256, %broadcast_in_dim3A_257 : vector<16xi1>, vector<16xi32>
        %gather3A_259 = tpu.vector_load_idx %arg10[%select_n3A_258] : memref<20752xi32, #tpu.memory_space<vmem>>[vector<16xi32>], vector<16xi32>,
        %lt3A_260 = arith.constant 0 : i32
        %lt3A_261 = vector.broadcast %lt3A_260 : i32 to vector<16xi32>
        %lt3A_262 = arith.cmpi slt, %select_n3A, %lt3A_261 : vector<16xi32>
        %add3A_263 = arith.constant 16 : i32
        %add3A_264 = vector.broadcast %add3A_263 : i32 to vector<16xi32>
        %add3A_265 = arith.addi %select_n3A, %add3A_264 : vector<16xi32>
        %select_n3A_266 = arith.select %lt3A_262, %add3A_265, %select_n3A : vector<16xi1>, vector<16xi32>
        %broadcast_in_dim3A_267 = vector.shape_cast %select_n3A_266 : vector<16xi32> to vector<16x1xi32>
        %gather3A_268 = vector.shape_cast %broadcast_in_dim3A_267 : vector<16x1xi32> to vector<16xi32>
        %gather3A_269 = tpu.dynamic_gather %gather3A_259[%gather3A_268] in [0] : vector<16xi32>, vector<16xi32> -> vector<16xi32>
        %lt3A_270 = arith.constant 2 : i32
        %lt3A_271 = vector.broadcast %lt3A_270 : i32 to vector<16xi32>
        %lt3A_272 = arith.cmpi slt, %iota3A, %lt3A_271 : vector<16xi32>
        tpu.vector_store_idx %arg10[%select_n3A_258], %gather3A_269 masked %lt3A_272 : memref<20752xi32, #tpu.memory_space<vmem>>[vector<16xi32>], vector<16xi32>, vector<16xi1>
        scf.yield %add3A_252 : i32
      }
      %gt3A_127 = arith.constant 0 : i32
      "tpu.trace_stop"() : () -> ()
      %gt3A_128 = arith.cmpi sgt, %sub3A_73, %gt3A_127 : i32
      %gt3A_129 = arith.constant 0 : i32
      %gt3A_130 = arith.cmpi sgt, %sub3A_110, %gt3A_129 : i32
      %broadcast_in_dim3A_131 = arith.constant -1 : i32
      %broadcast_in_dim3A_132 = vector.broadcast %broadcast_in_dim3A_131 : i32 to vector<16xi32>
      "tpu.trace_start"() <{level = 10 : i32, message = "sc_memset"}> : () -> ()
      %scan3A_133 = arith.constant 0 : i32
      %scan3A_134 = arith.constant 0 : i32
      %scan3A_135 = arith.constant 128 : i32
      %scan3A_136 = arith.addi %scan3A_134, %scan3A_135 : i32
      %scan3A_137 = arith.constant 1 : i32
      scf.for %scan3A_213 = %scan3A_134 to %scan3A_136 step %scan3A_137  : i32 {
        %mul3A_214 = arith.constant 10 : i32
        %mul3A_215 = arith.muli %scan3A_213, %mul3A_214 : i32
        %add3A_216 = arith.constant 0 : i32
        %add3A_217 = arith.addi %mul3A_215, %add3A_216 : i32
        %mul3A_218 = arith.constant 16 : i32
        %mul3A_219 = arith.muli %add3A_217, %mul3A_218 : i32
        %swap3A = arith.index_cast %mul3A_219 : i32 to index
        %swap3A_220 = tpu.vector_load %arg6[%swap3A] {strides = array<i32>} : memref<20480xi32, #tpu.memory_space<vmem>>, vector<16xi32>,
        tpu.vector_store %arg6[%swap3A], %broadcast_in_dim3A_132 {strides = array<i32>} : memref<20480xi32, #tpu.memory_space<vmem>>, vector<16xi32>,
        %mul3A_221 = arith.constant 10 : i32
        %mul3A_222 = arith.muli %scan3A_213, %mul3A_221 : i32
        %add3A_223 = arith.constant 1 : i32
        %add3A_224 = arith.addi %mul3A_222, %add3A_223 : i32
        %mul3A_225 = arith.constant 16 : i32
        %mul3A_226 = arith.muli %add3A_224, %mul3A_225 : i32
        %swap3A_227 = arith.index_cast %mul3A_226 : i32 to index
        %swap3A_228 = tpu.vector_load %arg6[%swap3A_227] {strides = array<i32>} : memref<20480xi32, #tpu.memory_space<vmem>>, vector<16xi32>,
        tpu.vector_store %arg6[%swap3A_227], %broadcast_in_dim3A_132 {strides = array<i32>} : memref<20480xi32, #tpu.memory_space<vmem>>, vector<16xi32>,
        %mul3A_229 = arith.constant 10 : i32
        %mul3A_230 = arith.muli %scan3A_213, %mul3A_229 : i32
        %add3A_231 = arith.constant 2 : i32
        %add3A_232 = arith.addi %mul3A_230, %add3A_231 : i32
        %mul3A_233 = arith.constant 16 : i32
        %mul3A_234 = arith.muli %add3A_232, %mul3A_233 : i32
        %swap3A_235 = arith.index_cast %mul3A_234 : i32 to index
        %swap3A_236 = tpu.vector_load %arg6[%swap3A_235] {strides = array<i32>} : memref<20480xi32, #tpu.memory_space<vmem>>, vector<16xi32>,
        tpu.vector_store %arg6[%swap3A_235], %broadcast_in_dim3A_132 {strides = array<i32>} : memref<20480xi32, #tpu.memory_space<vmem>>, vector<16xi32>,
        %mul3A_237 = arith.constant 10 : i32
        %mul3A_238 = arith.muli %scan3A_213, %mul3A_237 : i32
        %add3A_239 = arith.constant 3 : i32
        %add3A_240 = arith.addi %mul3A_238, %add3A_239 : i32
        %mul3A_241 = arith.constant 16 : i32
        %mul3A_242 = arith.muli %add3A_240, %mul3A_241 : i32
        %swap3A_243 = arith.index_cast %mul3A_242 : i32 to index
        %swap3A_244 = tpu.vector_load %arg6[%swap3A_243] {strides = array<i32>} : memref<20480xi32, #tpu.memory_space<vmem>>, vector<16xi32>,
        tpu.vector_store %arg6[%swap3A_243], %broadcast_in_dim3A_132 {strides = array<i32>} : memref<20480xi32, #tpu.memory_space<vmem>>, vector<16xi32>,
        %mul3A_245 = arith.constant 10 : i32
        %mul3A_246 = arith.muli %scan3A_213, %mul3A_245 : i32
        %add3A_247 = arith.constant 4 : i32
        %add3A_248 = arith.addi %mul3A_246, %add3A_247 : i32
        %mul3A_249 = arith.constant 16 : i32
        %mul3A_250 = arith.muli %add3A_248, %mul3A_249 : i32
        %swap3A_251 = arith.index_cast %mul3A_250 : i32 to index
        %swap3A_252 = tpu.vector_load %arg6[%swap3A_251] {strides = array<i32>} : memref<20480xi32, #tpu.memory_space<vmem>>, vector<16xi32>,
        tpu.vector_store %arg6[%swap3A_251], %broadcast_in_dim3A_132 {strides = array<i32>} : memref<20480xi32, #tpu.memory_space<vmem>>, vector<16xi32>,
        %mul3A_253 = arith.constant 10 : i32
        %mul3A_254 = arith.muli %scan3A_213, %mul3A_253 : i32
        %add3A_255 = arith.constant 5 : i32
        %add3A_256 = arith.addi %mul3A_254, %add3A_255 : i32
        %mul3A_257 = arith.constant 16 : i32
        %mul3A_258 = arith.muli %add3A_256, %mul3A_257 : i32
        %swap3A_259 = arith.index_cast %mul3A_258 : i32 to index
        %swap3A_260 = tpu.vector_load %arg6[%swap3A_259] {strides = array<i32>} : memref<20480xi32, #tpu.memory_space<vmem>>, vector<16xi32>,
        tpu.vector_store %arg6[%swap3A_259], %broadcast_in_dim3A_132 {strides = array<i32>} : memref<20480xi32, #tpu.memory_space<vmem>>, vector<16xi32>,
        %mul3A_261 = arith.constant 10 : i32
        %mul3A_262 = arith.muli %scan3A_213, %mul3A_261 : i32
        %add3A_263 = arith.constant 6 : i32
        %add3A_264 = arith.addi %mul3A_262, %add3A_263 : i32
        %mul3A_265 = arith.constant 16 : i32
        %mul3A_266 = arith.muli %add3A_264, %mul3A_265 : i32
        %swap3A_267 = arith.index_cast %mul3A_266 : i32 to index
        %swap3A_268 = tpu.vector_load %arg6[%swap3A_267] {strides = array<i32>} : memref<20480xi32, #tpu.memory_space<vmem>>, vector<16xi32>,
        tpu.vector_store %arg6[%swap3A_267], %broadcast_in_dim3A_132 {strides = array<i32>} : memref<20480xi32, #tpu.memory_space<vmem>>, vector<16xi32>,
        %mul3A_269 = arith.constant 10 : i32
        %mul3A_270 = arith.muli %scan3A_213, %mul3A_269 : i32
        %add3A_271 = arith.constant 7 : i32
        %add3A_272 = arith.addi %mul3A_270, %add3A_271 : i32
        %mul3A_273 = arith.constant 16 : i32
        %mul3A_274 = arith.muli %add3A_272, %mul3A_273 : i32
        %swap3A_275 = arith.index_cast %mul3A_274 : i32 to index
        %swap3A_276 = tpu.vector_load %arg6[%swap3A_275] {strides = array<i32>} : memref<20480xi32, #tpu.memory_space<vmem>>, vector<16xi32>,
        tpu.vector_store %arg6[%swap3A_275], %broadcast_in_dim3A_132 {strides = array<i32>} : memref<20480xi32, #tpu.memory_space<vmem>>, vector<16xi32>,
        %mul3A_277 = arith.constant 10 : i32
        %mul3A_278 = arith.muli %scan3A_213, %mul3A_277 : i32
        %add3A_279 = arith.constant 8 : i32
        %add3A_280 = arith.addi %mul3A_278, %add3A_279 : i32
        %mul3A_281 = arith.constant 16 : i32
        %mul3A_282 = arith.muli %add3A_280, %mul3A_281 : i32
        %swap3A_283 = arith.index_cast %mul3A_282 : i32 to index
        %swap3A_284 = tpu.vector_load %arg6[%swap3A_283] {strides = array<i32>} : memref<20480xi32, #tpu.memory_space<vmem>>, vector<16xi32>,
        tpu.vector_store %arg6[%swap3A_283], %broadcast_in_dim3A_132 {strides = array<i32>} : memref<20480xi32, #tpu.memory_space<vmem>>, vector<16xi32>,
        %mul3A_285 = arith.constant 10 : i32
        %mul3A_286 = arith.muli %scan3A_213, %mul3A_285 : i32
        %add3A_287 = arith.constant 9 : i32
        %add3A_288 = arith.addi %mul3A_286, %add3A_287 : i32
        %mul3A_289 = arith.constant 16 : i32
        %mul3A_290 = arith.muli %add3A_288, %mul3A_289 : i32
        %swap3A_291 = arith.index_cast %mul3A_290 : i32 to index
        %swap3A_292 = tpu.vector_load %arg6[%swap3A_291] {strides = array<i32>} : memref<20480xi32, #tpu.memory_space<vmem>>, vector<16xi32>,
        tpu.vector_store %arg6[%swap3A_291], %broadcast_in_dim3A_132 {strides = array<i32>} : memref<20480xi32, #tpu.memory_space<vmem>>, vector<16xi32>,
      }
      %scan3A_138 = arith.constant 128 : i32
      %jit3A_139 = arith.constant 0 : i32
      "tpu.trace_stop"() : () -> ()
      %select_n3A_140 = arith.select %gt3A_128, %sub3A_73, %jit3A_139 : i32
      %jit3A_141 = arith.constant 128 : i32
      %select_n3A_142 = arith.select %gt3A_128, %jit3A_141, %scan3A_64#0 : i32
      %add3A_143 = arith.constant 15 : i32
      %add3A_144 = arith.addi %select_n3A_142, %add3A_143 : i32
      %jit3A_145 = arith.constant 16 : i32
      %div3A = arith.divsi %add3A_144, %jit3A_145 : i32
      %sign3A = arith.constant 0 : i32
      %sign3A_146 = arith.cmpi sgt, %add3A_144, %sign3A : i32
      %sign3A_147 = arith.extui %sign3A_146 : i1 to i32
      %sign3A_148 = arith.constant 0 : i32
      %sign3A_149 = arith.cmpi slt, %add3A_144, %sign3A_148 : i32
      %sign3A_150 = arith.extui %sign3A_149 : i1 to i32
      %sign3A_151 = arith.subi %sign3A_147, %sign3A_150 : i32
      %sign3A_152 = arith.constant 0 : i32
      %sign3A_153 = arith.cmpi sgt, %jit3A_145, %sign3A_152 : i32
      %sign3A_154 = arith.extui %sign3A_153 : i1 to i32
      %sign3A_155 = arith.constant 0 : i32
      %sign3A_156 = arith.cmpi slt, %jit3A_145, %sign3A_155 : i32
      %sign3A_157 = arith.extui %sign3A_156 : i1 to i32
      %sign3A_158 = arith.subi %sign3A_154, %sign3A_157 : i32
      %ne3A = arith.cmpi ne, %sign3A_151, %sign3A_158 : i32
      %rem3A = arith.remsi %add3A_144, %jit3A_145 : i32
      %ne3A_159 = arith.constant 0 : i32
      %ne3A_160 = arith.cmpi ne, %rem3A, %ne3A_159 : i32
      %and3A = arith.andi %ne3A, %ne3A_160 : i1
      %sub3A_161 = arith.constant 1 : i32
      %sub3A_162 = arith.subi %div3A, %sub3A_161 : i32
      %select_n3A_163 = arith.select %and3A, %sub3A_162, %div3A : i32
      %while3A_164 = arith.constant 0 : i32
      %while3A_165 = arith.constant 0 : i32
      %while3A_166 = arith.subi %select_n3A_163, %while3A_165 : i32
      %while3A_167 = arith.addi %while3A_165, %while3A_166 : i32
      %while3A_168 = arith.constant 1 : i32
      %while3A_169 = arith.divsi %while3A_166, %while3A_168 : i32
      %while3A_170 = arith.muli %while3A_169, %while3A_168 : i32
      %while3A_171 = arith.addi %while3A_165, %while3A_170 : i32
      %while3A_172 = arith.constant 1 : i32
      scf.for %while3A_213 = %while3A_165 to %while3A_171 step %while3A_172  : i32 {
        %mul3A_214 = arith.constant 16 : i32
        %mul3A_215 = arith.muli %while3A_213, %mul3A_214 : i32
        %add3A_216 = arith.addi %select_n3A_140, %mul3A_215 : i32
        %get3A_217 = arith.index_cast %add3A_216 : i32 to index
        %get3A_218 = tpu.vector_load %arg9[%get3A_217] {strides = array<i32>} : memref<20496xi32, #tpu.memory_space<vmem>>, vector<16xi32>,
        %mul3A_219 = arith.constant 16 : i32
        %mul3A_220 = arith.muli %while3A_213, %mul3A_219 : i32
        %add3A_221 = vector.broadcast %mul3A_220 : i32 to vector<16xi32>
        %add3A_222 = arith.addi %iota3A, %add3A_221 : vector<16xi32>
        %lt3A_223 = vector.broadcast %select_n3A_142 : i32 to vector<16xi32>
        %lt3A_224 = arith.cmpi slt, %add3A_222, %lt3A_223 : vector<16xi32>
        tpu.vector_store_idx %arg6[%get3A_218], %broadcast_in_dim3A_3 masked %lt3A_224 : memref<20480xi32, #tpu.memory_space<vmem>>[vector<16xi32>], vector<16xi32>, vector<16xi1>
      }
      %while3A_173 = arith.constant 1 : i32
      scf.for %while3A_213 = %while3A_171 to %while3A_167 step %while3A_173  : i32 {
        %mul3A_214 = arith.constant 16 : i32
        %mul3A_215 = arith.muli %while3A_213, %mul3A_214 : i32
        %add3A_216 = arith.addi %select_n3A_140, %mul3A_215 : i32
        %get3A_217 = arith.index_cast %add3A_216 : i32 to index
        %get3A_218 = tpu.vector_load %arg9[%get3A_217] {strides = array<i32>} : memref<20496xi32, #tpu.memory_space<vmem>>, vector<16xi32>,
        %mul3A_219 = arith.constant 16 : i32
        %mul3A_220 = arith.muli %while3A_213, %mul3A_219 : i32
        %add3A_221 = vector.broadcast %mul3A_220 : i32 to vector<16xi32>
        %add3A_222 = arith.addi %iota3A, %add3A_221 : vector<16xi32>
        %lt3A_223 = vector.broadcast %select_n3A_142 : i32 to vector<16xi32>
        %lt3A_224 = arith.cmpi slt, %add3A_222, %lt3A_223 : vector<16xi32>
        tpu.vector_store_idx %arg6[%get3A_218], %broadcast_in_dim3A_3 masked %lt3A_224 : memref<20480xi32, #tpu.memory_space<vmem>>[vector<16xi32>], vector<16xi32>, vector<16xi1>
      }
      %jit3A_174 = arith.constant 0 : i32
      %select_n3A_175 = arith.select %gt3A_130, %sub3A_110, %jit3A_174 : i32
      %select_n3A_176 = arith.select %gt3A_130, %sub3A_109, %scan3A_64#1 : i32
      %add3A_177 = arith.constant 15 : i32
      %add3A_178 = arith.addi %select_n3A_176, %add3A_177 : i32
      %jit3A_179 = arith.constant 16 : i32
      %div3A_180 = arith.divsi %add3A_178, %jit3A_179 : i32
      %sign3A_181 = arith.constant 0 : i32
      %sign3A_182 = arith.cmpi sgt, %add3A_178, %sign3A_181 : i32
      %sign3A_183 = arith.extui %sign3A_182 : i1 to i32
      %sign3A_184 = arith.constant 0 : i32
      %sign3A_185 = arith.cmpi slt, %add3A_178, %sign3A_184 : i32
      %sign3A_186 = arith.extui %sign3A_185 : i1 to i32
      %sign3A_187 = arith.subi %sign3A_183, %sign3A_186 : i32
      %sign3A_188 = arith.constant 0 : i32
      %sign3A_189 = arith.cmpi sgt, %jit3A_179, %sign3A_188 : i32
      %sign3A_190 = arith.extui %sign3A_189 : i1 to i32
      %sign3A_191 = arith.constant 0 : i32
      %sign3A_192 = arith.cmpi slt, %jit3A_179, %sign3A_191 : i32
      %sign3A_193 = arith.extui %sign3A_192 : i1 to i32
      %sign3A_194 = arith.subi %sign3A_190, %sign3A_193 : i32
      %ne3A_195 = arith.cmpi ne, %sign3A_187, %sign3A_194 : i32
      %rem3A_196 = arith.remsi %add3A_178, %jit3A_179 : i32
      %ne3A_197 = arith.constant 0 : i32
      %ne3A_198 = arith.cmpi ne, %rem3A_196, %ne3A_197 : i32
      %and3A_199 = arith.andi %ne3A_195, %ne3A_198 : i1
      %sub3A_200 = arith.constant 1 : i32
      %sub3A_201 = arith.subi %div3A_180, %sub3A_200 : i32
      %select_n3A_202 = arith.select %and3A_199, %sub3A_201, %div3A_180 : i32
      %while3A_203 = arith.constant 0 : i32
      %while3A_204 = arith.constant 0 : i32
      %while3A_205 = arith.subi %select_n3A_202, %while3A_204 : i32
      %while3A_206 = arith.addi %while3A_204, %while3A_205 : i32
      %while3A_207 = arith.constant 1 : i32
      %while3A_208 = arith.divsi %while3A_205, %while3A_207 : i32
      %while3A_209 = arith.muli %while3A_208, %while3A_207 : i32
      %while3A_210 = arith.addi %while3A_204, %while3A_209 : i32
      %while3A_211 = arith.constant 1 : i32
      scf.for %while3A_213 = %while3A_204 to %while3A_210 step %while3A_211  : i32 {
        %mul3A_214 = arith.constant 16 : i32
        %mul3A_215 = arith.muli %while3A_213, %mul3A_214 : i32
        %add3A_216 = arith.addi %select_n3A_175, %mul3A_215 : i32
        %get3A_217 = arith.index_cast %add3A_216 : i32 to index
        %get3A_218 = tpu.vector_load %arg10[%get3A_217] {strides = array<i32>} : memref<20752xi32, #tpu.memory_space<vmem>>, vector<16xi32>,
        %mul3A_219 = arith.constant 16 : i32
        %mul3A_220 = arith.muli %while3A_213, %mul3A_219 : i32
        %add3A_221 = vector.broadcast %mul3A_220 : i32 to vector<16xi32>
        %add3A_222 = arith.addi %iota3A, %add3A_221 : vector<16xi32>
        %lt3A_223 = vector.broadcast %select_n3A_176 : i32 to vector<16xi32>
        %lt3A_224 = arith.cmpi slt, %add3A_222, %lt3A_223 : vector<16xi32>
        %broadcast_in_dim3A_225 = arith.constant 0 : i32
        %broadcast_in_dim3A_226 = vector.broadcast %broadcast_in_dim3A_225 : i32 to vector<16xi32>
        tpu.vector_store_idx %arg6[%get3A_218], %broadcast_in_dim3A_226 masked %lt3A_224 : memref<20480xi32, #tpu.memory_space<vmem>>[vector<16xi32>], vector<16xi32>, vector<16xi1>
      }
      %while3A_212 = arith.constant 1 : i32
      scf.for %while3A_213 = %while3A_210 to %while3A_206 step %while3A_212  : i32 {
        %mul3A_214 = arith.constant 16 : i32
        %mul3A_215 = arith.muli %while3A_213, %mul3A_214 : i32
        %add3A_216 = arith.addi %select_n3A_175, %mul3A_215 : i32
        %get3A_217 = arith.index_cast %add3A_216 : i32 to index
        %get3A_218 = tpu.vector_load %arg10[%get3A_217] {strides = array<i32>} : memref<20752xi32, #tpu.memory_space<vmem>>, vector<16xi32>,
        %mul3A_219 = arith.constant 16 : i32
        %mul3A_220 = arith.muli %while3A_213, %mul3A_219 : i32
        %add3A_221 = vector.broadcast %mul3A_220 : i32 to vector<16xi32>
        %add3A_222 = arith.addi %iota3A, %add3A_221 : vector<16xi32>
        %lt3A_223 = vector.broadcast %select_n3A_176 : i32 to vector<16xi32>
        %lt3A_224 = arith.cmpi slt, %add3A_222, %lt3A_223 : vector<16xi32>
        %broadcast_in_dim3A_225 = arith.constant 0 : i32
        %broadcast_in_dim3A_226 = vector.broadcast %broadcast_in_dim3A_225 : i32 to vector<16xi32>
        tpu.vector_store_idx %arg6[%get3A_218], %broadcast_in_dim3A_226 masked %lt3A_224 : memref<20480xi32, #tpu.memory_space<vmem>>[vector<16xi32>], vector<16xi32>, vector<16xi1>
      }
      "tpu.trace_start"() <{level = 10 : i32, message = "sc_dma_out"}> : () -> ()
      "tpu.region"() ({
        %run_scoped3A = tpu.sem_alloc : memref<!tpu.dma_semaphore, #tpu.memory_space<semaphore_mem>>
        %dma_start3A = arith.constant 0 : i32
        %dma_start3A_213 = tpu.memref_slice %arg5[%add3A, %dma_start3A] : memref<8x20480xi32, #tpu.memory_space<hbm>> -> memref<1x20480xi32, #tpu.memory_space<hbm>>
        %dma_start3A_214 = tpu.memref_squeeze %dma_start3A_213 : memref<1x20480xi32, #tpu.memory_space<hbm>> -> memref<20480xi32, #tpu.memory_space<hbm>>
        %dma_start3A_215 = arith.constant 0 : i32
        %dma_start3A_216 = tpu.memref_slice %arg5[%add3A, %dma_start3A_215] : memref<8x20480xi32, #tpu.memory_space<hbm>> -> memref<1x20480xi32, #tpu.memory_space<hbm>>
        %dma_start3A_217 = tpu.memref_squeeze %dma_start3A_216 : memref<1x20480xi32, #tpu.memory_space<hbm>> -> memref<20480xi32, #tpu.memory_space<hbm>>
        tpu.enqueue_dma source(%arg6 : memref<20480xi32, #tpu.memory_space<vmem>>) target(%dma_start3A_217 : memref<20480xi32, #tpu.memory_space<hbm>>) target_semaphore(%run_scoped3A : memref<!tpu.dma_semaphore, #tpu.memory_space<semaphore_mem>>)
        %dma_wait3A = arith.constant 0 : i32
        %dma_wait3A_218 = tpu.memref_slice %arg5[%add3A, %dma_wait3A] : memref<8x20480xi32, #tpu.memory_space<hbm>> -> memref<1x20480xi32, #tpu.memory_space<hbm>>
        %dma_wait3A_219 = tpu.memref_squeeze %dma_wait3A_218 : memref<1x20480xi32, #tpu.memory_space<hbm>> -> memref<20480xi32, #tpu.memory_space<hbm>>
        %dma_wait3A_220 = arith.constant 0 : i32
        %dma_wait3A_221 = tpu.memref_slice %arg5[%add3A, %dma_wait3A_220] : memref<8x20480xi32, #tpu.memory_space<hbm>> -> memref<1x20480xi32, #tpu.memory_space<hbm>>
        %dma_wait3A_222 = tpu.memref_squeeze %dma_wait3A_221 : memref<1x20480xi32, #tpu.memory_space<hbm>> -> memref<20480xi32, #tpu.memory_space<hbm>>
        tpu.wait_dma2 semaphore(%run_scoped3A : memref<!tpu.dma_semaphore, #tpu.memory_space<semaphore_mem>>) src(%arg6 : memref<20480xi32, #tpu.memory_space<vmem>>) dst(%dma_wait3A_222 : memref<20480xi32, #tpu.memory_space<hbm>>)
        tpu.yield
      }) : () -> ()
      "tpu.trace_stop"() : () -> ()
    } else {
    }
    return
  }
}

module attributes {stable_mosaic.version = 14 : i64} {
  func.func @_stagea_body(%arg0: i32, %arg1: i32, %arg2: memref<1x4x2048xf32, #tpu.memory_space<vmem>>, %arg3: memref<1x100x4xf32, #tpu.memory_space<vmem>>, %arg4: memref<1x4x100xf32, #tpu.memory_space<vmem>>, %arg5: memref<1x1x2048xi32, #tpu.memory_space<vmem>>, %arg6: memref<1x128x1xi32, #tpu.memory_space<vmem>>, %arg7: memref<1x4x2048xf32, #tpu.memory_space<vmem>>, %arg8: memref<128x8xf32, #tpu.memory_space<vmem>>, %arg9: memref<128x8xi32, #tpu.memory_space<vmem>>) attributes {dimension_semantics = [#tpu.dimension_semantics<arbitrary>, #tpu.dimension_semantics<arbitrary>], iteration_bounds = array<i64: 8, 10>, scalar_prefetch = 0 : i64, scratch_operands = 2 : i64, tpu.core_type = #tpu.core_type<tc>, window_params = [{transform_indices = @transform_0, window_bounds = array<i64: 1, 4, 2048>}, {transform_indices = @transform_1, window_bounds = array<i64: 1, 100, 4>}, {transform_indices = @transform_2, window_bounds = array<i64: 1, 4, 100>}, {transform_indices = @transform_3, window_bounds = array<i64: 1, 1, 2048>}, {transform_indices = @transform_4, window_bounds = array<i64: 1, 128, 1>}, {transform_indices = @transform_5, window_bounds = array<i64: 1, 4, 2048>}]} {
    %get3A = arith.constant 0 : index
    %get3A_0 = arith.constant 0 : index
    %get3A_1 = arith.constant 0 : index
    %get3A_2 = vector.load %arg2[%get3A, %get3A_0, %get3A_1] : memref<1x4x2048xf32, #tpu.memory_space<vmem>>, vector<1x4x2048xf32>
    %get3A_3 = vector.shape_cast %get3A_2 : vector<1x4x2048xf32> to vector<4x2048xf32>
    %jit3A = arith.constant 0.000000e+00 : f32
    %jit3A_4 = arith.constant 1.000000e+00 : f32
    %max3A = vector.broadcast %jit3A : f32 to vector<4x2048xf32>
    %max3A_5 = arith.maximumf %max3A, %get3A_3 : vector<4x2048xf32>
    %min3A = vector.broadcast %jit3A_4 : f32 to vector<4x2048xf32>
    %min3A_6 = arith.minimumf %min3A, %max3A_5 : vector<4x2048xf32>
    %slice3A = vector.extract_strided_slice %min3A_6 {offsets = [0, 0], sizes = [1, 2048], strides = [1, 1]} : vector<4x2048xf32> to vector<1x2048xf32>
    %slice3A_7 = vector.extract_strided_slice %min3A_6 {offsets = [1, 0], sizes = [1, 2048], strides = [1, 1]} : vector<4x2048xf32> to vector<1x2048xf32>
    %slice3A_8 = vector.extract_strided_slice %min3A_6 {offsets = [2, 0], sizes = [1, 2048], strides = [1, 1]} : vector<4x2048xf32> to vector<1x2048xf32>
    %slice3A_9 = vector.extract_strided_slice %min3A_6 {offsets = [3, 0], sizes = [1, 2048], strides = [1, 1]} : vector<4x2048xf32> to vector<1x2048xf32>
    %get3A_10 = arith.constant 0 : index
    %get3A_11 = arith.constant 0 : index
    %get3A_12 = arith.constant 0 : index
    %get3A_13 = vector.load %arg3[%get3A_10, %get3A_11, %get3A_12] : memref<1x100x4xf32, #tpu.memory_space<vmem>>, vector<1x100x4xf32>
    %get3A_14 = vector.shape_cast %get3A_13 : vector<1x100x4xf32> to vector<100x4xf32>
    %slice3A_15 = vector.extract_strided_slice %get3A_14 {offsets = [0, 0], sizes = [100, 1], strides = [1, 1]} : vector<100x4xf32> to vector<100x1xf32>
    %slice3A_16 = vector.extract_strided_slice %get3A_14 {offsets = [0, 1], sizes = [100, 1], strides = [1, 1]} : vector<100x4xf32> to vector<100x1xf32>
    %slice3A_17 = vector.extract_strided_slice %get3A_14 {offsets = [0, 2], sizes = [100, 1], strides = [1, 1]} : vector<100x4xf32> to vector<100x1xf32>
    %slice3A_18 = vector.extract_strided_slice %get3A_14 {offsets = [0, 3], sizes = [100, 1], strides = [1, 1]} : vector<100x4xf32> to vector<100x1xf32>
    %min3A_19 = vector.broadcast %slice3A_8 : vector<1x2048xf32> to vector<100x2048xf32>
    %min3A_20 = vector.broadcast %slice3A_17 : vector<100x1xf32> to vector<100x2048xf32>
    %min3A_21 = arith.minimumf %min3A_19, %min3A_20 : vector<100x2048xf32>
    %max3A_22 = vector.broadcast %slice3A : vector<1x2048xf32> to vector<100x2048xf32>
    %max3A_23 = vector.broadcast %slice3A_15 : vector<100x1xf32> to vector<100x2048xf32>
    %max3A_24 = arith.maximumf %max3A_22, %max3A_23 : vector<100x2048xf32>
    %sub3A = arith.subf %min3A_21, %max3A_24 : vector<100x2048xf32>
    %max3A_25 = arith.constant 0.000000e+00 : f32
    %max3A_26 = vector.broadcast %max3A_25 : f32 to vector<100x2048xf32>
    %max3A_27 = arith.maximumf %sub3A, %max3A_26 : vector<100x2048xf32>
    %min3A_28 = vector.broadcast %slice3A_9 : vector<1x2048xf32> to vector<100x2048xf32>
    %min3A_29 = vector.broadcast %slice3A_18 : vector<100x1xf32> to vector<100x2048xf32>
    %min3A_30 = arith.minimumf %min3A_28, %min3A_29 : vector<100x2048xf32>
    %max3A_31 = vector.broadcast %slice3A_7 : vector<1x2048xf32> to vector<100x2048xf32>
    %max3A_32 = vector.broadcast %slice3A_16 : vector<100x1xf32> to vector<100x2048xf32>
    %max3A_33 = arith.maximumf %max3A_31, %max3A_32 : vector<100x2048xf32>
    %sub3A_34 = arith.subf %min3A_30, %max3A_33 : vector<100x2048xf32>
    %max3A_35 = arith.constant 0.000000e+00 : f32
    %max3A_36 = vector.broadcast %max3A_35 : f32 to vector<100x2048xf32>
    %max3A_37 = arith.maximumf %sub3A_34, %max3A_36 : vector<100x2048xf32>
    %mul3A = arith.mulf %max3A_27, %max3A_37 : vector<100x2048xf32>
    %sub3A_38 = arith.subf %slice3A_8, %slice3A : vector<1x2048xf32>
    %sub3A_39 = arith.subf %slice3A_9, %slice3A_7 : vector<1x2048xf32>
    %mul3A_40 = arith.mulf %sub3A_38, %sub3A_39 : vector<1x2048xf32>
    %sub3A_41 = arith.subf %slice3A_17, %slice3A_15 : vector<100x1xf32>
    %sub3A_42 = arith.subf %slice3A_18, %slice3A_16 : vector<100x1xf32>
    %mul3A_43 = arith.mulf %sub3A_41, %sub3A_42 : vector<100x1xf32>
    %add3A = vector.broadcast %mul3A_40 : vector<1x2048xf32> to vector<100x2048xf32>
    %add3A_44 = vector.broadcast %mul3A_43 : vector<100x1xf32> to vector<100x2048xf32>
    %add3A_45 = arith.addf %add3A, %add3A_44 : vector<100x2048xf32>
    %sub3A_46 = arith.subf %add3A_45, %mul3A : vector<100x2048xf32>
    %add3A_47 = arith.constant 9.99999993E-9 : f32
    %add3A_48 = vector.broadcast %add3A_47 : f32 to vector<100x2048xf32>
    %add3A_49 = arith.addf %sub3A_46, %add3A_48 : vector<100x2048xf32>
    %div3A = arith.divf %mul3A, %add3A_49 : vector<100x2048xf32>
    %reduce_max3A = arith.constant dense<0xFF800000> : vector<2048xf32>
    %reduce_max3A_50 = vector.multi_reduction <maximumf>, %div3A, %reduce_max3A [0] : vector<100x2048xf32> to vector<2048xf32>
    %broadcast_in_dim3A = vector.shape_cast %reduce_max3A_50 : vector<2048xf32> to vector<1x2048xf32>
    %iota3A = tpu.iota {dimensions = array<i32: 0>} : vector<100x2048xi32>
    %eq3A = vector.broadcast %broadcast_in_dim3A : vector<1x2048xf32> to vector<100x2048xf32>
    %eq3A_51 = arith.cmpf oeq, %div3A, %eq3A : vector<100x2048xf32>
    %jit3A_52 = arith.constant 100 : i32
    %broadcast_in_dim3A_53 = vector.broadcast %jit3A_52 : i32 to vector<100x2048xi32>
    %select_n3A = arith.select %eq3A_51, %iota3A, %broadcast_in_dim3A_53 : vector<100x2048xi1>, vector<100x2048xi32>
    %reduce_min3A = arith.constant dense<2147483647> : vector<2048xi32>
    %reduce_min3A_54 = vector.multi_reduction <minsi>, %select_n3A, %reduce_min3A [0] : vector<100x2048xi32> to vector<2048xi32>
    %broadcast_in_dim3A_55 = vector.shape_cast %reduce_min3A_54 : vector<2048xi32> to vector<1x2048xi32>
    %lt3A = arith.constant 3.000000e-01 : f32
    %lt3A_56 = vector.broadcast %lt3A : f32 to vector<1x2048xf32>
    %lt3A_57 = arith.cmpf olt, %broadcast_in_dim3A, %lt3A_56 : vector<1x2048xf32>
    %jit3A_58 = arith.constant 0 : i32
    %jit3A_59 = arith.constant -1 : i32
    %broadcast_in_dim3A_60 = vector.broadcast %jit3A_58 : i32 to vector<1x2048xi32>
    %broadcast_in_dim3A_61 = vector.broadcast %jit3A_59 : i32 to vector<1x2048xi32>
    %select_n3A_62 = arith.select %lt3A_57, %broadcast_in_dim3A_60, %broadcast_in_dim3A_61 : vector<1x2048xi1>, vector<1x2048xi32>
    %ge3A = arith.constant 0.699999988 : f32
    %ge3A_63 = vector.broadcast %ge3A : f32 to vector<1x2048xf32>
    %ge3A_64 = arith.cmpf oge, %broadcast_in_dim3A, %ge3A_63 : vector<1x2048xf32>
    %jit3A_65 = arith.constant 1 : i32
    %broadcast_in_dim3A_66 = vector.broadcast %jit3A_65 : i32 to vector<1x2048xi32>
    %select_n3A_67 = arith.select %ge3A_64, %broadcast_in_dim3A_66, %select_n3A_62 : vector<1x2048xi1>, vector<1x2048xi32>
    %mul3A_68 = arith.constant 2048 : i32
    %mul3A_69 = arith.muli %arg1, %mul3A_68 : i32
    %iota3A_70 = tpu.iota {dimensions = array<i32: 1>} : vector<1x2048xi32>
    %add3A_71 = vector.broadcast %mul3A_69 : i32 to vector<1x2048xi32>
    %add3A_72 = arith.addi %add3A_71, %iota3A_70 : vector<1x2048xi32>
    %lt3A_73 = arith.constant 20000 : i32
    %lt3A_74 = vector.broadcast %lt3A_73 : i32 to vector<1x2048xi32>
    %lt3A_75 = arith.cmpi slt, %add3A_72, %lt3A_74 : vector<1x2048xi32>
    %jit3A_76 = arith.constant -1 : i32
    %broadcast_in_dim3A_77 = vector.broadcast %jit3A_76 : i32 to vector<1x2048xi32>
    %select_n3A_78 = arith.select %lt3A_75, %select_n3A_67, %broadcast_in_dim3A_77 : vector<1x2048xi1>, vector<1x2048xi32>
    %swap3A = arith.constant 0 : index
    %swap3A_79 = arith.constant 0 : index
    %swap3A_80 = arith.constant 0 : index
    %swap3A_81 = vector.load %arg5[%swap3A, %swap3A_79, %swap3A_80] : memref<1x1x2048xi32, #tpu.memory_space<vmem>>, vector<1x1x2048xi32>
    %swap3A_82 = vector.shape_cast %swap3A_81 : vector<1x1x2048xi32> to vector<1x2048xi32>
    %swap3A_83 = vector.shape_cast %select_n3A_78 : vector<1x2048xi32> to vector<1x1x2048xi32>
    tpu.vector_store %arg5[%swap3A, %swap3A_79, %swap3A_80], %swap3A_83 {strides = array<i32>} : memref<1x1x2048xi32, #tpu.memory_space<vmem>>, vector<1x1x2048xi32>,
    %reduce_max3A_84 = arith.constant dense<0xFF800000> : vector<100xf32>
    %reduce_max3A_85 = vector.multi_reduction <maximumf>, %div3A, %reduce_max3A_84 [1] : vector<100x2048xf32> to vector<100xf32>
    %broadcast_in_dim3A_86 = vector.shape_cast %reduce_max3A_85 : vector<100xf32> to vector<100x1xf32>
    %iota3A_87 = tpu.iota {dimensions = array<i32: 1>} : vector<100x2048xi32>
    %mul3A_88 = arith.constant 2048 : i32
    %mul3A_89 = arith.muli %arg1, %mul3A_88 : i32
    %add3A_90 = vector.broadcast %mul3A_89 : i32 to vector<100x2048xi32>
    %add3A_91 = arith.addi %iota3A_87, %add3A_90 : vector<100x2048xi32>
    %eq3A_92 = vector.broadcast %broadcast_in_dim3A_86 : vector<100x1xf32> to vector<100x2048xf32>
    %eq3A_93 = arith.cmpf oeq, %div3A, %eq3A_92 : vector<100x2048xf32>
    %jit3A_94 = arith.constant 20480 : i32
    %broadcast_in_dim3A_95 = vector.broadcast %jit3A_94 : i32 to vector<100x2048xi32>
    %select_n3A_96 = arith.select %eq3A_93, %add3A_91, %broadcast_in_dim3A_95 : vector<100x2048xi1>, vector<100x2048xi32>
    %reduce_min3A_97 = arith.constant dense<2147483647> : vector<100xi32>
    %reduce_min3A_98 = vector.multi_reduction <minsi>, %select_n3A_96, %reduce_min3A_97 [1] : vector<100x2048xi32> to vector<100xi32>
    %broadcast_in_dim3A_99 = vector.shape_cast %reduce_min3A_98 : vector<100xi32> to vector<100x1xi32>
    %eq3A_100 = arith.constant 0 : i32
    %eq3A_101 = arith.cmpi eq, %arg1, %eq3A_100 : i32
    %convert_element_type3A = arith.extui %eq3A_101 : i1 to i32
    %cond3A = arith.constant 0 : i32
    %cond3A_102 = arith.cmpi ne, %convert_element_type3A, %cond3A : i32
    scf.if %cond3A_102 {
      %broadcast_in_dim3A_185 = arith.constant -1.000000e+00 : f32
      %broadcast_in_dim3A_186 = vector.broadcast %broadcast_in_dim3A_185 : f32 to vector<100x1xf32>
      %swap3A_187 = arith.constant 0 : index
      %swap3A_188 = arith.constant 0 : index
      %swap3A_189 = vector.load %arg8[%swap3A_187, %swap3A_188] : memref<128x8xf32, #tpu.memory_space<vmem>>, vector<100x1xf32>
      tpu.vector_store %arg8[%swap3A_187, %swap3A_188], %broadcast_in_dim3A_186 {strides = array<i32>} : memref<128x8xf32, #tpu.memory_space<vmem>>, vector<100x1xf32>,
      %broadcast_in_dim3A_190 = arith.constant 0 : i32
      %broadcast_in_dim3A_191 = vector.broadcast %broadcast_in_dim3A_190 : i32 to vector<100x1xi32>
      %swap3A_192 = arith.constant 0 : index
      %swap3A_193 = arith.constant 0 : index
      %swap3A_194 = vector.load %arg9[%swap3A_192, %swap3A_193] : memref<128x8xi32, #tpu.memory_space<vmem>>, vector<100x1xi32>
      tpu.vector_store %arg9[%swap3A_192, %swap3A_193], %broadcast_in_dim3A_191 {strides = array<i32>} : memref<128x8xi32, #tpu.memory_space<vmem>>, vector<100x1xi32>,
    } else {
    }
    %get3A_103 = arith.constant 0 : index
    %get3A_104 = arith.constant 0 : index
    %get3A_105 = vector.load %arg8[%get3A_103, %get3A_104] : memref<128x8xf32, #tpu.memory_space<vmem>>, vector<100x1xf32>
    %gt3A = arith.cmpf ogt, %broadcast_in_dim3A_86, %get3A_105 : vector<100x1xf32>
    %select_n3A_106 = arith.select %gt3A, %broadcast_in_dim3A_86, %get3A_105 : vector<100x1xi1>, vector<100x1xf32>
    %swap3A_107 = arith.constant 0 : index
    %swap3A_108 = arith.constant 0 : index
    %swap3A_109 = vector.load %arg8[%swap3A_107, %swap3A_108] : memref<128x8xf32, #tpu.memory_space<vmem>>, vector<100x1xf32>
    tpu.vector_store %arg8[%swap3A_107, %swap3A_108], %select_n3A_106 {strides = array<i32>} : memref<128x8xf32, #tpu.memory_space<vmem>>, vector<100x1xf32>,
    %get3A_110 = arith.constant 0 : index
    %get3A_111 = arith.constant 0 : index
    %get3A_112 = vector.load %arg9[%get3A_110, %get3A_111] : memref<128x8xi32, #tpu.memory_space<vmem>>, vector<100x1xi32>
    %select_n3A_113 = arith.select %gt3A, %broadcast_in_dim3A_99, %get3A_112 : vector<100x1xi1>, vector<100x1xi32>
    %swap3A_114 = arith.constant 0 : index
    %swap3A_115 = arith.constant 0 : index
    %swap3A_116 = vector.load %arg9[%swap3A_114, %swap3A_115] : memref<128x8xi32, #tpu.memory_space<vmem>>, vector<100x1xi32>
    tpu.vector_store %arg9[%swap3A_114, %swap3A_115], %select_n3A_113 {strides = array<i32>} : memref<128x8xi32, #tpu.memory_space<vmem>>, vector<100x1xi32>,
    %eq3A_117 = arith.constant 9 : i32
    %eq3A_118 = arith.cmpi eq, %arg1, %eq3A_117 : i32
    %convert_element_type3A_119 = arith.extui %eq3A_118 : i1 to i32
    %cond3A_120 = arith.constant 0 : i32
    %cond3A_121 = arith.cmpi ne, %convert_element_type3A_119, %cond3A_120 : i32
    scf.if %cond3A_121 {
      %get3A_185 = arith.constant 0 : index
      %get3A_186 = arith.constant 0 : index
      %get3A_187 = vector.load %arg9[%get3A_185, %get3A_186] : memref<128x8xi32, #tpu.memory_space<vmem>>, vector<100x1xi32>
      %swap3A_188 = arith.constant 0 : index
      %swap3A_189 = arith.constant 0 : index
      %swap3A_190 = arith.constant 0 : index
      %swap3A_191 = vector.load %arg6[%swap3A_188, %swap3A_189, %swap3A_190] : memref<1x128x1xi32, #tpu.memory_space<vmem>>, vector<1x100x1xi32>
      %swap3A_192 = vector.shape_cast %swap3A_191 : vector<1x100x1xi32> to vector<100x1xi32>
      %swap3A_193 = vector.shape_cast %get3A_187 : vector<100x1xi32> to vector<1x100x1xi32>
      tpu.vector_store %arg6[%swap3A_188, %swap3A_189, %swap3A_190], %swap3A_193 {strides = array<i32>} : memref<1x128x1xi32, #tpu.memory_space<vmem>>, vector<1x100x1xi32>,
    } else {
    }
    %eq3A_122 = vector.broadcast %broadcast_in_dim3A_55 : vector<1x2048xi32> to vector<100x2048xi32>
    %eq3A_123 = arith.cmpi eq, %iota3A, %eq3A_122 : vector<100x2048xi32>
    %convert_element_type3A_124 = arith.extui %eq3A_123 : vector<100x2048xi1> to vector<100x2048xi32>
    %convert_element_type3A_125 = arith.sitofp %convert_element_type3A_124 : vector<100x2048xi32> to vector<100x2048xf32>
    %get3A_126 = arith.constant 0 : index
    %get3A_127 = arith.constant 0 : index
    %get3A_128 = arith.constant 0 : index
    %get3A_129 = vector.load %arg4[%get3A_126, %get3A_127, %get3A_128] : memref<1x4x100xf32, #tpu.memory_space<vmem>>, vector<1x4x100xf32>
    %get3A_130 = vector.shape_cast %get3A_129 : vector<1x4x100xf32> to vector<4x100xf32>
    %dot_general3A = arith.constant dense<0.000000e+00> : vector<4x2048xf32>
    %dot_general3A_131 = tpu.matmul %get3A_130, %convert_element_type3A_125, %dot_general3A {dimension_numbers = #tpu.dot_dimension_numbers<[1], [0], [0], [1], [0, 0, 1, 1], [], []>, precision = #tpu.contract_precision<fp32>, transpose_lhs_hint = false} : vector<4x100xf32>, vector<100x2048xf32>, vector<4x2048xf32> -> vector<4x2048xf32>
    %sub3A_132 = arith.subf %slice3A_8, %slice3A : vector<1x2048xf32>
    %max3A_133 = arith.constant 9.99999997E-7 : f32
    %max3A_134 = vector.broadcast %max3A_133 : f32 to vector<1x2048xf32>
    %max3A_135 = arith.maximumf %sub3A_132, %max3A_134 : vector<1x2048xf32>
    %sub3A_136 = arith.subf %slice3A_9, %slice3A_7 : vector<1x2048xf32>
    %max3A_137 = arith.constant 9.99999997E-7 : f32
    %max3A_138 = vector.broadcast %max3A_137 : f32 to vector<1x2048xf32>
    %max3A_139 = arith.maximumf %sub3A_136, %max3A_138 : vector<1x2048xf32>
    %add3A_140 = arith.addf %slice3A, %slice3A_8 : vector<1x2048xf32>
    %mul3A_141 = arith.constant 5.000000e-01 : f32
    %mul3A_142 = vector.broadcast %mul3A_141 : f32 to vector<1x2048xf32>
    %mul3A_143 = arith.mulf %add3A_140, %mul3A_142 : vector<1x2048xf32>
    %add3A_144 = arith.addf %slice3A_7, %slice3A_9 : vector<1x2048xf32>
    %mul3A_145 = arith.constant 5.000000e-01 : f32
    %mul3A_146 = vector.broadcast %mul3A_145 : f32 to vector<1x2048xf32>
    %mul3A_147 = arith.mulf %add3A_144, %mul3A_146 : vector<1x2048xf32>
    %slice3A_148 = vector.extract_strided_slice %dot_general3A_131 {offsets = [2, 0], sizes = [1, 2048], strides = [1, 1]} : vector<4x2048xf32> to vector<1x2048xf32>
    %slice3A_149 = vector.extract_strided_slice %dot_general3A_131 {offsets = [0, 0], sizes = [1, 2048], strides = [1, 1]} : vector<4x2048xf32> to vector<1x2048xf32>
    %sub3A_150 = arith.subf %slice3A_148, %slice3A_149 : vector<1x2048xf32>
    %max3A_151 = arith.constant 9.99999997E-7 : f32
    %max3A_152 = vector.broadcast %max3A_151 : f32 to vector<1x2048xf32>
    %max3A_153 = arith.maximumf %sub3A_150, %max3A_152 : vector<1x2048xf32>
    %slice3A_154 = vector.extract_strided_slice %dot_general3A_131 {offsets = [3, 0], sizes = [1, 2048], strides = [1, 1]} : vector<4x2048xf32> to vector<1x2048xf32>
    %slice3A_155 = vector.extract_strided_slice %dot_general3A_131 {offsets = [1, 0], sizes = [1, 2048], strides = [1, 1]} : vector<4x2048xf32> to vector<1x2048xf32>
    %sub3A_156 = arith.subf %slice3A_154, %slice3A_155 : vector<1x2048xf32>
    %max3A_157 = arith.constant 9.99999997E-7 : f32
    %max3A_158 = vector.broadcast %max3A_157 : f32 to vector<1x2048xf32>
    %max3A_159 = arith.maximumf %sub3A_156, %max3A_158 : vector<1x2048xf32>
    %slice3A_160 = vector.extract_strided_slice %dot_general3A_131 {offsets = [0, 0], sizes = [1, 2048], strides = [1, 1]} : vector<4x2048xf32> to vector<1x2048xf32>
    %slice3A_161 = vector.extract_strided_slice %dot_general3A_131 {offsets = [2, 0], sizes = [1, 2048], strides = [1, 1]} : vector<4x2048xf32> to vector<1x2048xf32>
    %add3A_162 = arith.addf %slice3A_160, %slice3A_161 : vector<1x2048xf32>
    %mul3A_163 = arith.constant 5.000000e-01 : f32
    %mul3A_164 = vector.broadcast %mul3A_163 : f32 to vector<1x2048xf32>
    %mul3A_165 = arith.mulf %add3A_162, %mul3A_164 : vector<1x2048xf32>
    %slice3A_166 = vector.extract_strided_slice %dot_general3A_131 {offsets = [1, 0], sizes = [1, 2048], strides = [1, 1]} : vector<4x2048xf32> to vector<1x2048xf32>
    %slice3A_167 = vector.extract_strided_slice %dot_general3A_131 {offsets = [3, 0], sizes = [1, 2048], strides = [1, 1]} : vector<4x2048xf32> to vector<1x2048xf32>
    %add3A_168 = arith.addf %slice3A_166, %slice3A_167 : vector<1x2048xf32>
    %mul3A_169 = arith.constant 5.000000e-01 : f32
    %mul3A_170 = vector.broadcast %mul3A_169 : f32 to vector<1x2048xf32>
    %mul3A_171 = arith.mulf %add3A_168, %mul3A_170 : vector<1x2048xf32>
    %sub3A_172 = arith.subf %mul3A_165, %mul3A_143 : vector<1x2048xf32>
    %div3A_173 = arith.divf %sub3A_172, %max3A_135 : vector<1x2048xf32>
    %sub3A_174 = arith.subf %mul3A_171, %mul3A_147 : vector<1x2048xf32>
    %div3A_175 = arith.divf %sub3A_174, %max3A_139 : vector<1x2048xf32>
    %div3A_176 = arith.divf %max3A_153, %max3A_135 : vector<1x2048xf32>
    %log3A = math.log %div3A_176 : vector<1x2048xf32>
    %div3A_177 = arith.divf %max3A_159, %max3A_139 : vector<1x2048xf32>
    %log3A_178 = math.log %div3A_177 : vector<1x2048xf32>
    %concatenate3A = tpu.concatenate %div3A_173, %div3A_175, %log3A, %log3A_178 in 0 : vector<1x2048xf32>, vector<1x2048xf32>, vector<1x2048xf32>, vector<1x2048xf32> -> vector<4x2048xf32>
    %swap3A_179 = arith.constant 0 : index
    %swap3A_180 = arith.constant 0 : index
    %swap3A_181 = arith.constant 0 : index
    %swap3A_182 = vector.load %arg7[%swap3A_179, %swap3A_180, %swap3A_181] : memref<1x4x2048xf32, #tpu.memory_space<vmem>>, vector<1x4x2048xf32>
    %swap3A_183 = vector.shape_cast %swap3A_182 : vector<1x4x2048xf32> to vector<4x2048xf32>
    %swap3A_184 = vector.shape_cast %concatenate3A : vector<4x2048xf32> to vector<1x4x2048xf32>
    tpu.vector_store %arg7[%swap3A_179, %swap3A_180, %swap3A_181], %swap3A_184 {strides = array<i32>} : memref<1x4x2048xf32, #tpu.memory_space<vmem>>, vector<1x4x2048xf32>,
    return
  }
  func.func @transform_0(%arg0: i32, %arg1: i32) -> (i32, i32, i32) {
    %c0_i32 = arith.constant 0 : i32
    %c0_i32_0 = arith.constant 0 : i32
    return %arg0, %c0_i32, %arg1 : i32, i32, i32
  }
  func.func @transform_1(%arg0: i32, %arg1: i32) -> (i32, i32, i32) {
    %c0_i32 = arith.constant 0 : i32
    %c0_i32_0 = arith.constant 0 : i32
    %c0_i32_1 = arith.constant 0 : i32
    return %arg0, %c0_i32, %c0_i32_0 : i32, i32, i32
  }
  func.func @transform_2(%arg0: i32, %arg1: i32) -> (i32, i32, i32) {
    %c0_i32 = arith.constant 0 : i32
    %c0_i32_0 = arith.constant 0 : i32
    %c0_i32_1 = arith.constant 0 : i32
    return %arg0, %c0_i32, %c0_i32_0 : i32, i32, i32
  }
  func.func @transform_3(%arg0: i32, %arg1: i32) -> (i32, i32, i32) {
    %c0_i32 = arith.constant 0 : i32
    %c0_i32_0 = arith.constant 0 : i32
    return %arg0, %c0_i32, %arg1 : i32, i32, i32
  }
  func.func @transform_4(%arg0: i32, %arg1: i32) -> (i32, i32, i32) {
    %c0_i32 = arith.constant 0 : i32
    %c0_i32_0 = arith.constant 0 : i32
    %c0_i32_1 = arith.constant 0 : i32
    return %arg0, %c0_i32, %c0_i32_0 : i32, i32, i32
  }
  func.func @transform_5(%arg0: i32, %arg1: i32) -> (i32, i32, i32) {
    %c0_i32 = arith.constant 0 : i32
    %c0_i32_0 = arith.constant 0 : i32
    return %arg0, %c0_i32, %arg1 : i32, i32, i32
  }
}

module attributes {stable_mosaic.version = 14 : i64} {
  func.func @_stageb_body(%arg0: i32, %arg1: i32, %arg2: memref<1x4x2048xf32, #tpu.memory_space<vmem>>, %arg3: memref<1x1x2048xi32, #tpu.memory_space<vmem>>, %arg4: memref<1x4x2048xf32, #tpu.memory_space<vmem>>) attributes {dimension_semantics = [#tpu.dimension_semantics<arbitrary>, #tpu.dimension_semantics<arbitrary>], iteration_bounds = array<i64: 8, 10>, scalar_prefetch = 0 : i64, scratch_operands = 0 : i64, tpu.core_type = #tpu.core_type<tc>, window_params = [{transform_indices = @transform_0, window_bounds = array<i64: 1, 4, 2048>}, {transform_indices = @transform_1, window_bounds = array<i64: 1, 1, 2048>}, {transform_indices = @transform_2, window_bounds = array<i64: 1, 4, 2048>}]} {
    %get3A = arith.constant 0 : index
    %get3A_0 = arith.constant 0 : index
    %get3A_1 = arith.constant 0 : index
    %get3A_2 = vector.load %arg3[%get3A, %get3A_0, %get3A_1] : memref<1x1x2048xi32, #tpu.memory_space<vmem>>, vector<1x1x2048xi32>
    %get3A_3 = vector.shape_cast %get3A_2 : vector<1x1x2048xi32> to vector<1x2048xi32>
    %eq3A = arith.constant 1 : i32
    %eq3A_4 = vector.broadcast %eq3A : i32 to vector<1x2048xi32>
    %eq3A_5 = arith.cmpi eq, %get3A_3, %eq3A_4 : vector<1x2048xi32>
    %get3A_6 = arith.constant 0 : index
    %get3A_7 = arith.constant 0 : index
    %get3A_8 = arith.constant 0 : index
    %get3A_9 = vector.load %arg2[%get3A_6, %get3A_7, %get3A_8] : memref<1x4x2048xf32, #tpu.memory_space<vmem>>, vector<1x4x2048xf32>
    %get3A_10 = vector.shape_cast %get3A_9 : vector<1x4x2048xf32> to vector<4x2048xf32>
    %jit3A = arith.constant 0.000000e+00 : f32
    %broadcast_in_dim3A = vector.shape_cast %eq3A_5 : vector<1x2048xi1> to vector<1x2048xi1>
    %broadcast_in_dim3A_11 = vector.broadcast %broadcast_in_dim3A : vector<1x2048xi1> to vector<4x2048xi1>
    %broadcast_in_dim3A_12 = vector.broadcast %jit3A : f32 to vector<4x2048xf32>
    %select_n3A = arith.select %broadcast_in_dim3A_11, %get3A_10, %broadcast_in_dim3A_12 : vector<4x2048xi1>, vector<4x2048xf32>
    %swap3A = arith.constant 0 : index
    %swap3A_13 = arith.constant 0 : index
    %swap3A_14 = arith.constant 0 : index
    %swap3A_15 = vector.load %arg4[%swap3A, %swap3A_13, %swap3A_14] : memref<1x4x2048xf32, #tpu.memory_space<vmem>>, vector<1x4x2048xf32>
    %swap3A_16 = vector.shape_cast %swap3A_15 : vector<1x4x2048xf32> to vector<4x2048xf32>
    %swap3A_17 = vector.shape_cast %select_n3A : vector<4x2048xf32> to vector<1x4x2048xf32>
    tpu.vector_store %arg4[%swap3A, %swap3A_13, %swap3A_14], %swap3A_17 {strides = array<i32>} : memref<1x4x2048xf32, #tpu.memory_space<vmem>>, vector<1x4x2048xf32>,
    return
  }
  func.func @transform_0(%arg0: i32, %arg1: i32) -> (i32, i32, i32) {
    %c0_i32 = arith.constant 0 : i32
    %c0_i32_0 = arith.constant 0 : i32
    return %arg0, %c0_i32, %arg1 : i32, i32, i32
  }
  func.func @transform_1(%arg0: i32, %arg1: i32) -> (i32, i32, i32) {
    %c0_i32 = arith.constant 0 : i32
    %c0_i32_0 = arith.constant 0 : i32
    return %arg0, %c0_i32, %arg1 : i32, i32, i32
  }
  func.func @transform_2(%arg0: i32, %arg1: i32) -> (i32, i32, i32) {
    %c0_i32 = arith.constant 0 : i32
    %c0_i32_0 = arith.constant 0 : i32
    return %arg0, %c0_i32, %arg1 : i32, i32, i32
  }
}

</mosaic_0001>

<sc_bundles>
// kernel: kernel.5.cloned.1.call-start
scs
__scs_entry_jumppad:
0x0: {  	(pc) =	sbr.rel $0x88, $3  }
0x1: {  	(tag) =	ssettag $0x0;
	lr =	simm.s32 $0x1  }
0x2: {  	[smem:$0x3F9F] =	sst lr;
	_ =	strace $0xD0000000  }
0x3: {  	_ = 	snop  }
0x4: {  	_ = 	snop  }
0x5: {  	_ = 	snop  }
0x6: {  	_ = 	snop  }
0x7: {  	_ = 	snop  }
__scs_overlays_trampoline_lowered:
0x8: {  	[smem:$0x3FAE] =	sst s0  }
0x9: {  	[smem:$0x3FAF] =	sst s1  }
0xa: {  	[smem:$0x3FB0] =	sst s2  }
0xb: {  	[smem:$0x3FB1] =	sst s3  }
0xc: {  	[smem:$0x3FB2] =	sst s4  }
0xd: {  	[smem:$0x3FB3] =	sst s5  }
0xe: {  	[smem:$0x3FB4] =	sst s6  }
0xf: {  	[smem:$0x3FB5] =	sst s7  }
0x10: {  	[smem:$0x3FB6] =	sst s8  }
0x11: {  	[smem:$0x3FB7] =	sst s9;
	s0 =	simm.s32 @!p0 $0x0  }
0x12: {  	s1 =	sld [smem:$0x3F9D];
	s0 =	simm.s32 @p0 $0x1  }
0x13: {  	[smem:$0x3FB8] =	sst s0;
	s0 =	simm.s32 @!p1 $0x0  }
0x14: {  	s2 =	sld [smem:$0x3F9C];
	s0 =	simm.s32 @p1 $0x1  }
0x15: {  	[smem:$0x3FB9] =	sst s0;
	s0 =	simm.s32 @!p2 $0x0  }
0x16: {  	s3 =	sld [smem:$0x3FDB];
	s0 =	simm.s32 @p2 $0x1  }
0x17: {  	s4 =	simm.s32 $0x1BF5;
	[smem:$0x3FBB] =	sst s0  }
0x18: {  	s0 =	sld [smem:$0x3F9E];
	_ =	swait.ge [sflag:s4], $0x0  }
0x19: {  	s7 =	sld [smem:$0x3F9F]  }
0x1a: {  	s8 =	sadd.s32 $0xFFFFE003, lr  }
0x1b: {  	s9 =	sadd.s32 $0xFFFFFEF7, lr;
	s5 =	simm.s32 $0xFFFFFFFF;
	p2 =	slt.u32 s8, $0xFFFFF086  }
0x1c: {  	p1 =	slt.u32 s9, $0xF7A;
	s5 =	simm.s32 @!p2 $0x0  }
0x1d: {  	s5 =	simm.s32 @p1 $0x1;
	p0 =	seq.s32 s7, s2  }
0x1e: {  	s7 =	smul.u32 @!p0 $0xF7A, s2;
	p2 =	seq.s32 @!p0 s5, $0x0  }
0x1f: {  	s9 =	smul.u32 $0xF7A, s1;
	s8 =	simm.s32 @!p0 $0x1BF5;
	p2 =	por !p2, p0  }
0x20: {  	[sflag:s8] =	ssyncset.s32 @!p0 $0xFFFFF086;
	s6 =	sadd.s32 @!p0 s3, s7;
	s7 =	simm.s32 @!p0 $0x108  }
0x21: {  	s3 =	sadd.s32 s3, s9;
	s6 =	sadd.s32 @!p0 $0x88, s6;
	s7 =	simm.s32 @p2 $0x1082  }
0x22: {  	[simem:s7], [sflag:s8] =	dma.local @!p0 [hbm:s6], $0xF7A  }
0x23: {  	s9 =	sor.u32 $0xD0000000, s2;
	s6 =	simm.s32 $0x108;
	_ =	swait.ge @!p0 [sflag:s8], $0x0  }
0x24: {  	s3 =	sadd.s32 $0x88, s3;
	s6 =	simm.s32 @!p1 $0x1082;
	[sflag:s4] =	ssyncset.s32 $0xFFFFF086  }
0x25: {  	[simem:s6], [sflag:s4] =	dma.local [hbm:s3], $0xF7A  }
0x26: {  	[smem:$0x3F9F] =	sst s1;
	(tag) =	ssettag s2;
	_ =	strace s9  }
0x27: {  	s1 =	sld [smem:$0x3FAF]  }
0x28: {  	s2 =	sld [smem:$0x3FB0]  }
0x29: {  	s4 =	sld [smem:$0x3FB2]  }
0x2a: {  	p0 =	seq.s32 s5, $0x0;
	s5 =	sld [smem:$0x3FB3]  }
0x2b: {  	s6 =	sld [smem:$0x3FB4]  }
0x2c: {  	s7 =	sld [smem:$0x3FB5]  }
0x2d: {  	s3 =	simm.s32 $0x108;
	s8 =	sld [smem:$0x3FB6]  }
0x2e: {  	s3 =	simm.s32 @!p0 $0x1082;
	s9 =	sld [smem:$0x3FB7]  }
0x2f: {  	lr =	sadd.s32 s0, s3;
	s0 =	sld [smem:$0x3FAE]  }
0x30: {  	s3 =	sld [smem:$0x3FB1]  }
0x31: {  	[smem:$0x3FBA] =	sst s10  }
0x32: {  	s10 =	sld [smem:$0x3FB8];
	_ =	sdelay $0x3  }
0x33: {  	p0 =	seq.s32 s10, $0x1;
	s10 =	sld [smem:$0x3FBA];
	_ =	sdelay $0x3  }
0x34: {  	[smem:$0x3FBA] =	sst s10  }
0x35: {  	s10 =	sld [smem:$0x3FB9];
	_ =	sdelay $0x3  }
0x36: {  	p1 =	seq.s32 s10, $0x1;
	s10 =	sld [smem:$0x3FBA];
	_ =	sdelay $0x3  }
0x37: {  	[smem:$0x3FBA] =	sst s10  }
0x38: {  	s10 =	sld [smem:$0x3FBB]  }
0x39: {  	_ = 	snop;
	(pc) =	sbr.ind lr, $3  }
0x3a: {  	_ = 	snop  }
0x3b: {  	_ = 	snop  }
0x3c: {  	p2 =	seq.s32 s10, $0x1;
	s10 =	sld [smem:$0x3FBA]  }
0x3d: {  	_ =	shalt  }
0x3e: {  	_ =	shalt  }
0x3f: {  	_ =	shalt  }
0x40: {  	_ =	shalt  }
0x41: {  	_ =	shalt  }
0x42: {  	_ =	shalt  }
0x43: {  	_ =	shalt  }
0x44: {  	_ =	shalt  }
0x45: {  	_ =	shalt  }
0x46: {  	_ =	shalt  }
0x47: {  	_ =	shalt  }
0x48: {  	_ =	shalt  }
0x49: {  	_ =	shalt  }
0x4a: {  	_ =	shalt  }
0x4b: {  	_ =	shalt  }
0x4c: {  	_ =	shalt  }
0x4d: {  	_ =	shalt  }
0x4e: {  	_ =	shalt  }
0x4f: {  	_ =	shalt  }
0x50: {  	_ =	shalt  }
0x51: {  	_ =	shalt  }
0x52: {  	_ =	shalt  }
0x53: {  	_ =	shalt  }
0x54: {  	_ =	shalt  }
0x55: {  	_ =	shalt  }
0x56: {  	_ =	shalt  }
0x57: {  	_ =	shalt  }
0x58: {  	_ =	shalt  }
0x59: {  	_ =	shalt  }
0x5a: {  	_ =	shalt  }
0x5b: {  	_ =	shalt  }
0x5c: {  	_ =	shalt  }
0x5d: {  	_ =	shalt  }
0x5e: {  	_ =	shalt  }
0x5f: {  	_ =	shalt  }
0x60: {  	_ =	shalt  }
0x61: {  	_ =	shalt  }
0x62: {  	_ =	shalt  }
0x63: {  	_ =	shalt  }
0x64: {  	_ =	shalt  }
0x65: {  	_ =	shalt  }
0x66: {  	_ =	shalt  }
0x67: {  	_ =	shalt  }
0x68: {  	_ =	shalt  }
0x69: {  	_ =	shalt  }
0x6a: {  	_ =	shalt  }
0x6b: {  	_ =	shalt  }
0x6c: {  	_ =	shalt  }
0x6d: {  	_ =	shalt  }
0x6e: {  	_ =	shalt  }
0x6f: {  	_ =	shalt  }
0x70: {  	_ =	shalt  }
0x71: {  	_ =	shalt  }
0x72: {  	_ =	shalt  }
0x73: {  	_ =	shalt  }
0x74: {  	_ =	shalt  }
0x75: {  	_ =	shalt  }
0x76: {  	_ =	shalt  }
0x77: {  	_ =	shalt  }
0x78: {  	_ =	shalt  }
0x79: {  	_ =	shalt  }
0x7a: {  	_ =	shalt  }
0x7b: {  	_ =	shalt  }
0x7c: {  	_ =	shalt  }
0x7d: {  	_ =	shalt  }
0x7e: {  	_ =	shalt  }
0x7f: {  	_ =	shalt  }
0x80: {  	_ =	shalt  }
0x81: {  	_ =	shalt  }
0x82: {  	_ =	shalt  }
0x83: {  	_ =	shalt  }
0x84: {  	_ =	shalt  }
0x85: {  	_ =	shalt  }
0x86: {  	_ =	shalt  }
0x87: {  	_ =	shalt  }
.Lfunc_end0:
.L_simem_size_0:
called_computation_lowered:
.L_overlay_start_0:
0x88: {  	s2 =	sld [smem:$0x3FD9]  }
0x89: {  	s3 =	sld [smem:$0x3FFE];
	_ =	sdelay $0x1  }
0x8a: {  	s1 =	srdreg.scid  }
0x8b: {  	s0 =	sand.u32 $0x1, s1  }
0x8c: {  	s14 =	sshll.u32 s0, $0xA;
	s2 =	sadd.s32 s3, s2  }
0x8d: {  	s2 =	sadd.s32 s2, s14  }
0x8e: {  	[smem:$0x3FC6] =	sst s2  }
0x8f: {  	_ = 	snop  }
0x90: {  	s2 =	sld [smem:$0x3FD0];
	_ =	sdelay $0x2  }
0x91: {  	s15 =	simm.s32 $0xA;
	s4 =	simm.s32 $0x10  }
0x92: {  	[smem:s4], [sflag:s15] =	dma.local [hbm:s2], $0x1  }
0x93: {  	_ =	swait.eq [sflag:s15], $0x1  }
0x94: {  	[sflag:s15] =	ssyncset.done $0x0  }
0x95: {  	s16 =	sld [smem:$0x10];
	[sflag:s15] =	ssyncadd.s32 $0xFFFFFFFF  }
0x96: {  	s17 =	sld [smem:$0x11];
	(tm) =	ssettm $0x1  }
0x97: {  	s18 =	sld [smem:$0x3FFB];
	_ =	sdelay $0x3  }
0x98: {  	_ =	strace s18  }
0x99: {  	s4 =	sld [smem:$0x3FFC];
	_ =	sdelay $0x3  }
0x9a: {  	_ =	strace s4  }
0x9b: {  	s4 =	sld [smem:$0x3FFD];
	_ =	sdelay $0x3  }
0x9c: {  	_ =	strace s4  }
0x9d: {  	_ =	strace $0x8FFFFFFF  }
0x9e: {  	s19 =	sld [smem:$0x3FDB];
	_ =	sdelay $0x1  }
0x9f: {  	s5 =	simm.s32 $_scs_section_size  }
0xa0: {  	s6 =	simm.s32 $_size__tile_overlayer_lowered;
	s7 =	simm.s32 $_tile_overlayer_lowered  }
0xa1: {  	s22 =	simm.s32 $0x1BFF;
	s21 =	sshll.u32 s7, $0x1;
	s4 =	sadd.s32 s5, s19  }
0xa2: {  	s8 =	simm.s32 $0x0;
	s20 =	sshll.u32 s6, $0x1;
	s6 =	sadd.s32 s21, s4  }
0xa3: {  	[timem:s8], [sflag:s22] =	dma.local [hbm:s6], s20  }
0xa4: {  	_ =	swait.ge [sflag:s22], s20  }
0xa5: {  	s5 =	ssub.s32 $0x0, s20;
	[sflag:s22] =	ssyncset.done $0x0  }
0xa6: {  	[sflag:s22] =	ssyncadd.s32 s5;
	_ =	sdelay $0x1  }
0xa7: {  	s23 =	simm.s32 $0x1B8B  }
0xa8: {  	_ =	swait.ge [sflag:s23], $0x1  }
0xa9: {  	[sflag:s23] =	ssyncset.done $0x0  }
0xaa: {  	s25 =	simm.s32 $0x1B8E;
	s24 =	sld [smem:$0x3FFE];
	[sflag:s23] =	ssyncadd.s32 $0xFFFFFFFF  }
0xab: {  	s26 =	simm.s32 $execute0_lowered;
	[smem:$0x3FD2] =	sst s25  }
0xac: {  	s6 =	sshll.u32 s26, $0x1;
	_ =	strace $0x80000046;
	[dreg:$0x1] =	wrdreg $0xFFFFFFFF  }
0xad: {  	s28 =	simm.s32 $_size_execute0_lowered;
	s4 =	sadd.s32 s4, s6;
	[dreg:$0x0] =	wrdreg $0x0  }
0xae: {  	s6 =	sshll.u32 s28, $0x1;
	[dreg:$0x2] =	wrdreg s4  }
0xaf: {  	[dreg:$0x3] =	wrdreg s6  }
0xb0: {  	[dreg:$0x4] =	wrdreg $0xC0  }
0xb1: {  	_ =	task [dreg:s8], $0x5FFFF  }
0xb2: {  	[dreg:$0x1] =	wrdreg $0xFFFFFFFF  }
0xb3: {  	[dreg:$0x0] =	wrdreg $0x60  }
0xb4: {  	[dreg:$0x2] =	wrdreg s17  }
0xb5: {  	[dreg:$0x3] =	wrdreg s24  }
0xb6: {  	[dreg:$0x4] =	wrdreg s16  }
0xb7: {  	[dreg:$0x5] =	wrdreg $0x9  }
0xb8: {  	_ =	task.clear_ibuf [dreg:s8], $0x6FFFF;
	_ =	strace $0x90000046  }
0xb9: {  	s29 =	simm.s32 $0x9;
	_ =	strace $0x8000004E  }
0xba: {  	_ =	swait.ge [sflag:s29], $0x1  }
0xbb: {  	[sflag:s29] =	ssyncadd.s32 $0xFFFFFFFF  }
0xbc: {  	_ =	strace $0x9000004E  }
0xbd: {  	_ =	sfence  }
0xbe: {  	s30 =	sld [smem:$0x0];
	_ =	sdelay $0x2  }
0xbf: {  	s31 =	sshll.u32 s1, $0xD;
	s1 =	sshrl.u32 s1, $0x2  }
0xc0: {  	s3 =	sand.u32 $0x4000, s31;
	s1 =	sadd.s32 s1, s30  }
0xc1: {  	s0 =	sor.u32 s3, s0;
	s1 =	sshll.u32 s1, $0x11  }
0xc2: {  	s0 =	sor.u32 s1, s0  }
0xc3: {  	s0 =	sadd.s32 $0x8F2B, s0  }
0xc4: {  	[sflag:s0] =	ssyncadd.remote.s32 $0x1  }
0xc5: {  	_ =	sfence.sel $0xFFFF  }
0xc6: {  	[dreg:$0x0] =	wrdreg $0xFFFFFFFF;
	(pc) =	sbr.abs _section_cstart, $3  }
0xc7: {  	[dreg:$0x1] =	wrdreg $0xFFFFFFFF  }
0xc8: {  	_ =	task.clear_ibuf [dreg:s8], $0x2FFFF;
	_ =	strace $0x9FFFFFFF  }
0xc9: {  	(tm) =	ssettm $0x7FFFFFFF  }
tec
execute0_lowered:
.L_overlay_start_1:
0x0: {  	(tag) =	ssettag $0x1  }
0x1: {  	s1 =	stileid.u32  }
0x2: {  	p0 =	sgt.u32 s1, $0x3  }
.Ltmp0:
0x3: {  	s3 =	rddreg [dreg:$0x0];
	(pc) =	sbr.rel @p0 .LBB2_28-.Ltmp0, $4  }
0x4: {  	s4 =	rddreg [dreg:$0x1]  }
0x5: {  	s5 =	rddreg [dreg:$0x2];
	s2 =	simm.s32 $0x0  }
0x6: {  	[smem:$0x7FF] =	sst s2  }
0x7: {  	s0 =	rddreg [dreg:$0x3];
	_ =	strace $0x80000047  }
0x8: {  	s6 =	srdreg.scid;
	s7 =	sshll.u32 s1, $0x5  }
0x9: {  	s11 =	simm.s32 $0x5000;
	s12 =	simm.s32 $0x5080;
	s6 =	sand.u32 $0x1, s6  }
0xa: {  	s13 =	simm.s32 $0x9100;
	s14 =	simm.s32 $0xE180;
	s8 =	sshll.u32 s6, $0x4  }
.Ltmp1:
0xb: {  	s9 =	ssub.s32 $0x2, s6;
	s7 =	sor.u32 s8, s7;
	(pc) =	sbr.rel .LBB2_2-.Ltmp1, $4  }
0xc: {  	s15 =	simm.s32 $0x0;
	s10 =	sshrl.u32 s9, $0x1;
	s8 =	sadd.s32 s7, s4  }
0xd: {  	v0 =	vimm.s32 $0x1;
	v1 =	vlaneseq.u32;
	s3 =	sadd.s32 s3, s7;
	s5 =	sadd.s32 s5, s7;
	s31 =	ssub.s32 s9, s10  }
0xe: {  	v2 =	vimm.f32 $0.0e+00;
	v3 =	vimm.s32 $0x0;
	vm1 =	vcmask $0x300;
	s9 =	simm.s32 $0x400;
	s10 =	simm.s32 $0x1;
	s4 =	sadd.s32 $0x800, s8  }
0xf: {  	vm0 =	vcmask $0x3F04;
	v5 =	vimm.s32 $0xFFFFFFFF;
	v4 =	vsel vm1, $0x1, v3;
	s6 =	sadd.s32 $0xA00, s8;
	s7 =	smax.u32 s31, $0x1;
	s8 =	simm.s32 $0x80  }
.LBB2_26:
0x10: {  	v8 =	vor.u32 s16, v1  }
0x11: {  	vm1 =	vlt.s32 v8, v6;
	_ =	sdelay $0x5  }
0x12: {  	[tilespmem:v7+s2+$0x0] =	vst.idx.msk vm1, v3  }
.LBB2_27:
0x13: {  	_ =	strace $0x8000004D;
	s15 =	sadd.s32 $0x1, s15  }
0x14: {  	[hbm4b:s6+s8] =	stream.strided.scatter [tilespmem:s2], [sflag:$0x1], $0x5000, s9, s8, $0x200038;
	[tilespmem:$0x13300] =	vst v63  }
0x15: {  	p0 =	sne.s32 s15, s7  }
.Ltmp2:
0x16: {  	_ = 	snop;
	(pc) =	sbr.rel @!p0 .LBB2_28-.Ltmp2, $4  }
0x17: {  	_ =	swait.ge [sflag:s10], $0x5000  }
0x18: {  	[sflag:s10] =	ssyncset.done $0x0  }
0x19: {  	[sflag:s10] =	ssyncadd.s32 $0xFFFFB000  }
0x1a: {  	_ =	strace $0x9000004D  }
.LBB2_2:
0x1b: {  	_ =	strace $0x80000048;
	s16 =	simm.s32 $0x0  }
0x1c: {  	[tilespmem:s16], [sflag:$0x1] =	stream.strided.gather [hbm4b:s3+s8], $0x5000, s9, s8, $0x200038;
	[tilespmem:$0x13300] =	vst v63  }
0x1d: {  	_ =	swait.ge [sflag:s10], $0x5000  }
0x1e: {  	[sflag:s10] =	ssyncset.done $0x0  }
0x1f: {  	[sflag:s10] =	ssyncadd.s32 $0xFFFFB000  }
0x20: {  	[tilespmem:s11], [sflag:$0x1] =	stream.linear.gather [hbm4b:s4+s16], $0x80, $0x200038;
	[tilespmem:$0x13300] =	vst v63  }
0x21: {  	_ =	swait.ge [sflag:s10], $0x80  }
0x22: {  	[sflag:s10] =	ssyncset.done $0x0  }
0x23: {  	[sflag:s10] =	ssyncadd.s32 $0xFFFFFF80  }
0x24: {  	[tilespmem:s12], [sflag:$0x1] =	stream.strided.gather [hbm4b:s5+s8], $0x4000, s9, s8, $0x200038;
	[tilespmem:$0x13300] =	vst v63  }
0x25: {  	_ =	swait.ge [sflag:s10], $0x4000  }
0x26: {  	[sflag:s10] =	ssyncset.done $0x0  }
0x27: {  	[sflag:s10] =	ssyncadd.s32 $0xFFFFC000  }
0x28: {  	_ =	strace $0x90000048  }
0x29: {  	v6 =	vld [tilespmem:$0x5000];
	_ =	sdelay $0x7  }
0x2a: {  	[tilespmem:v6+s16+$0x0] =	vst.idx.msk $0xffff, v0  }
0x2b: {  	v6 =	vld [tilespmem:$0x5010];
	_ =	sdelay $0x7  }
0x2c: {  	[tilespmem:v6+s16+$0x0] =	vst.idx.msk $0xffff, v0  }
0x2d: {  	v6 =	vld [tilespmem:$0x5020];
	_ =	sdelay $0x7  }
0x2e: {  	[tilespmem:v6+s16+$0x0] =	vst.idx.msk $0xffff, v0  }
0x2f: {  	v6 =	vld [tilespmem:$0x5030];
	_ =	sdelay $0x7  }
0x30: {  	[tilespmem:v6+s16+$0x0] =	vst.idx.msk $0xffff, v0  }
0x31: {  	v6 =	vld [tilespmem:$0x5040];
	_ =	sdelay $0x7  }
0x32: {  	[tilespmem:v6+s16+$0x0] =	vst.idx.msk $0xffff, v0  }
0x33: {  	v6 =	vld [tilespmem:$0x5050];
	_ =	sdelay $0x7  }
0x34: {  	[tilespmem:v6+s16+$0x0] =	vst.idx.msk $0xffff, v0  }
0x35: {  	v6 =	vld [tilespmem:$0x5060];
	_ =	sdelay $0x7  }
0x36: {  	[tilespmem:v6+s16+$0x0] =	vst.idx.msk $0xf, v0  }
0x37: {  	s17 =	simm.s32 $0x20;
	_ =	strace $0x80000049  }
0x38: {  	v6 =	vld [tilespmem:s17+$0xFFFFFFE0];
	_ =	sdelay $0x4  }
0x39: {  	vm1 =	veq.s32 v6, $0x1  }
0x3a: {  	vm2 =	veq.s32 v6, $0x0;
	v6 =	vmpcnt.ones.xlane vm1;
	_ =	sdelay $0x1  }
0x3b: {  	(v2sf) =	vpush v6, $0x0;
	_ =	sdelay $0x1  }
0x3c: {  	s18 =	simm.s32 $0x0;
	v7 =	vmpcnt.ones.xlane vm2  }
0x3d: {  	v6 =	vor.u32 s18, v1  }
0x3e: {  	(v2sf) =	vpush v7, $0x0;
	[tilespmem:s16+$0x9100] =	vst.msk vm1, v6  }
0x3f: {  	[tilespmem:s16+$0xE180] =	vst.msk vm2, v6  }
0x40: {  	v6 =	vld [tilespmem:s17+$0xFFFFFFF0];
	_ =	sdelay $0x4  }
0x41: {  	vm1 =	veq.s32 v6, $0x1  }
0x42: {  	vm2 =	veq.s32 v6, $0x0;
	v6 =	vmpcnt.ones.xlane vm1  }
0x43: {  	v7 =	vmpcnt.ones.xlane vm2  }
0x44: {  	(v2sf) =	vpush v6, $0x0  }
0x45: {  	s22 =	spop (v2sf);
	(v2sf) =	vpush v7, $0x0;
	_ =	sdelay $0x2  }
0x46: {  	s21 =	simm.s32 $0x10  }
0x47: {  	v6 =	vor.u32 s21, v1;
	s18 =	sadd.s32 $0x0, s22;
	s23 =	spop (v2sf)  }
0x48: {  	s16 =	sadd.s32 $0x0, s23;
	[tilespmem:s18+$0x9100] =	vst.msk vm1, v6  }
0x49: {  	[tilespmem:s16+$0xE180] =	vst.msk vm2, v6  }
0x4a: {  	v6 =	vld [tilespmem:s17+$0x0];
	_ =	sdelay $0x4  }
0x4b: {  	vm1 =	veq.s32 v6, $0x1  }
0x4c: {  	vm2 =	veq.s32 v6, $0x0;
	v6 =	vmpcnt.ones.xlane vm1  }
0x4d: {  	s19 =	simm.s32 $0x20;
	v7 =	vmpcnt.ones.xlane vm2;
	s20 =	spop (v2sf)  }
0x4e: {  	(v2sf) =	vpush v6, $0x0;
	s18 =	sadd.s32 s18, s20;
	v6 =	vor.u32 s19, v1;
	s24 =	spop (v2sf)  }
0x4f: {  	(v2sf) =	vpush v7, $0x0;
	[tilespmem:s18+$0x9100] =	vst.msk vm1, v6;
	s16 =	sadd.s32 s16, s24  }
0x50: {  	[tilespmem:s16+$0xE180] =	vst.msk vm2, v6  }
0x51: {  	v6 =	vld [tilespmem:s17+$0x10];
	_ =	sdelay $0x4  }
0x52: {  	vm1 =	veq.s32 v6, $0x1  }
0x53: {  	vm2 =	veq.s32 v6, $0x0;
	v6 =	vmpcnt.ones.xlane vm1  }
0x54: {  	v7 =	vmpcnt.ones.xlane vm2  }
0x55: {  	(v2sf) =	vpush v6, $0x0  }
0x56: {  	(v2sf) =	vpush v7, $0x0;
	_ =	sdelay $0x2  }
0x57: {  	s25 =	simm.s32 $0x30;
	s26 =	spop (v2sf)  }
0x58: {  	v6 =	vor.u32 s25, v1;
	s18 =	sadd.s32 s18, s26;
	s28 =	spop (v2sf)  }
0x59: {  	s16 =	sadd.s32 s16, s28;
	[tilespmem:s18+$0x9100] =	vst.msk vm1, v6  }
0x5a: {  	[tilespmem:s16+$0xE180] =	vst.msk vm2, v6  }
0x5b: {  	v6 =	vld [tilespmem:s17+$0x20];
	_ =	sdelay $0x4  }
0x5c: {  	vm1 =	veq.s32 v6, $0x1  }
0x5d: {  	v7 =	vmpcnt.ones.xlane vm1  }
0x5e: {  	s29 =	simm.s32 $0x40;
	s30 =	spop (v2sf)  }
0x5f: {  	(v2sf) =	vpush v7, $0x0;
	v7 =	vor.u32 s29, v1;
	s21 =	sadd.s32 s18, s30;
	s31 =	spop (v2sf)  }
0x60: {  	vm2 =	veq.s32 v6, $0x0;
	s20 =	sadd.s32 s16, s31;
	[tilespmem:s21+$0x9100] =	vst.msk vm1, v7  }
0x61: {  	[tilespmem:s20+$0xE180] =	vst.msk vm2, v7;
	v7 =	vmpcnt.ones.xlane vm2;
	_ =	sdelay $0x1  }
0x62: {  	(v2sf) =	vpush v7, $0x0;
	_ =	sdelay $0x2  }
0x63: {  	s17 =	simm.s32 $0x70  }
0x64: {  	v6 =	vld [tilespmem:s17+$0xFFFFFFE0];
	_ =	sdelay $0x4  }
0x65: {  	vm2 =	veq.s32 v6, $0x1  }
0x66: {  	vm1 =	veq.s32 v6, $0x0;
	v6 =	vmpcnt.ones.xlane vm2  }
0x67: {  	v7 =	vmpcnt.ones.xlane vm1  }
0x68: {  	(v2sf) =	vpush v6, $0x0  }
0x69: {  	s18 =	simm.s32 $0xE0;
	s16 =	simm.s32 $0x90;
	(v2sf) =	vpush v7, $0x0;
	s19 =	spop (v2sf)  }
.LBB2_3:
0x6a: {  	s22 =	sadd.s32 $0xFFFFFFC0, s16  }
0x6b: {  	s21 =	sadd.s32 s21, s19;
	s23 =	spop (v2sf);
	s19 =	smov.u32 s18  }
0x6c: {  	p0 =	sne.s32 s18, $0x4FF0;
	s18 =	sadd.s32 $0x50, s18;
	v6 =	vor.u32 s22, v1;
	s20 =	sadd.s32 s20, s23  }
0x6d: {  	[tilespmem:s21+$0x9100] =	vst.msk vm2, v6  }
0x6e: {  	[tilespmem:s20+$0xE180] =	vst.msk vm1, v6  }
0x6f: {  	v6 =	vld [tilespmem:s17+$0xFFFFFFF0];
	_ =	sdelay $0x4  }
0x70: {  	vm1 =	veq.s32 v6, $0x1;
	vm2 =	veq.s32 v6, $0x0  }
0x71: {  	v6 =	vmpcnt.ones.xlane vm1;
	v7 =	vmpcnt.ones.xlane vm2;
	_ =	sdelay $0x1  }
0x72: {  	(v2sf) =	vpush v6, $0x0  }
0x73: {  	s22 =	sadd.s32 $0xFFFFFFD0, s16;
	s23 =	spop (v2sf);
	(v2sf) =	vpush v7, $0x0  }
0x74: {  	v6 =	vor.u32 s22, v1;
	s21 =	sadd.s32 s21, s23;
	s22 =	spop (v2sf)  }
0x75: {  	s20 =	sadd.s32 s20, s22;
	[tilespmem:s21+$0x9100] =	vst.msk vm1, v6  }
0x76: {  	[tilespmem:s20+$0xE180] =	vst.msk vm2, v6  }
0x77: {  	v6 =	vld [tilespmem:s17+$0x0];
	_ =	sdelay $0x4  }
0x78: {  	vm1 =	veq.s32 v6, $0x1;
	vm2 =	veq.s32 v6, $0x0  }
0x79: {  	v6 =	vmpcnt.ones.xlane vm1;
	v7 =	vmpcnt.ones.xlane vm2;
	_ =	sdelay $0x1  }
0x7a: {  	(v2sf) =	vpush v6, $0x0  }
0x7b: {  	(v2sf) =	vpush v7, $0x0  }
0x7c: {  	s22 =	sadd.s32 $0xFFFFFFE0, s16;
	s23 =	spop (v2sf)  }
0x7d: {  	v6 =	vor.u32 s22, v1;
	s21 =	sadd.s32 s21, s23;
	s22 =	spop (v2sf)  }
0x7e: {  	s20 =	sadd.s32 s20, s22;
	[tilespmem:s21+$0x9100] =	vst.msk vm1, v6  }
0x7f: {  	[tilespmem:s20+$0xE180] =	vst.msk vm2, v6  }
0x80: {  	v6 =	vld [tilespmem:s17+$0x10];
	_ =	sdelay $0x4  }
0x81: {  	vm1 =	veq.s32 v6, $0x1  }
0x82: {  	vm2 =	veq.s32 v6, $0x0;
	v6 =	vmpcnt.ones.xlane vm1  }
0x83: {  	v7 =	vmpcnt.ones.xlane vm2  }
0x84: {  	(v2sf) =	vpush v6, $0x0  }
0x85: {  	s22 =	sadd.s32 $0xFFFFFFF0, s16;
	s23 =	spop (v2sf);
	(v2sf) =	vpush v7, $0x0  }
0x86: {  	v6 =	vor.u32 s22, v1;
	s21 =	sadd.s32 s21, s23;
	s22 =	spop (v2sf)  }
0x87: {  	s20 =	sadd.s32 s20, s22;
	[tilespmem:s21+$0x9100] =	vst.msk vm1, v6  }
0x88: {  	[tilespmem:s20+$0xE180] =	vst.msk vm2, v6  }
0x89: {  	v6 =	vld [tilespmem:s17+$0x20];
	_ =	sdelay $0x4  }
0x8a: {  	vm1 =	veq.s32 v6, $0x1;
	vm2 =	veq.s32 v6, $0x0  }
0x8b: {  	v6 =	vmpcnt.ones.xlane vm1;
	v7 =	vmpcnt.ones.xlane vm2;
	_ =	sdelay $0x1  }
0x8c: {  	(v2sf) =	vpush v6, $0x0  }
0x8d: {  	(v2sf) =	vpush v7, $0x0  }
0x8e: {  	s22 =	spop (v2sf)  }
0x8f: {  	v6 =	vor.u32 s16, v1;
	s16 =	smov.u32 s19;
	s21 =	sadd.s32 s21, s22;
	s22 =	spop (v2sf)  }
0x90: {  	s20 =	sadd.s32 s20, s22;
	[tilespmem:s21+$0x9100] =	vst.msk vm1, v6  }
0x91: {  	s17 =	sadd.s32 $0x50, s17;
	[tilespmem:s20+$0xE180] =	vst.msk vm2, v6  }
0x92: {  	v6 =	vld [tilespmem:s17+$0xFFFFFFE0];
	_ =	sdelay $0x4  }
.Ltmp3:
0x93: {  	vm2 =	veq.s32 v6, $0x1;
	vm1 =	veq.s32 v6, $0x0;
	(pc) =	sbr.rel @p0 .LBB2_3-.Ltmp3, $3  }
0x94: {  	v6 =	vmpcnt.ones.xlane vm2;
	v7 =	vmpcnt.ones.xlane vm1;
	_ =	sdelay $0x1  }
0x95: {  	(v2sf) =	vpush v6, $0x0  }
0x96: {  	(v2sf) =	vpush v7, $0x0;
	s19 =	spop (v2sf)  }
0x97: {  	_ =	sdelay $0x4  }
0x98: {  	s18 =	sadd.s32 $0xFFFFFFC0, s16  }
0x99: {  	s19 =	sadd.s32 s21, s19;
	s25 =	spop (v2sf);
	v6 =	vor.u32 s18, v1  }
0x9a: {  	s26 =	sadd.s32 s20, s25;
	[tilespmem:s19+$0x9100] =	vst.msk vm2, v6  }
0x9b: {  	[tilespmem:s26+$0xE180] =	vst.msk vm1, v6  }
0x9c: {  	v6 =	vld [tilespmem:s17+$0xFFFFFFF0];
	_ =	sdelay $0x3  }
0x9d: {  	s28 =	sadd.s32 $0xFFFFFFD0, s16;
	s29 =	spop (v2sf)  }
0x9e: {  	v7 =	vor.u32 s28, v1;
	vm1 =	veq.s32 v6, $0x1;
	s19 =	sadd.s32 s19, s29;
	s30 =	spop (v2sf)  }
0x9f: {  	vm2 =	veq.s32 v6, $0x0;
	v6 =	vmpcnt.ones.xlane vm1;
	s18 =	sadd.s32 s26, s30;
	[tilespmem:s19+$0x9100] =	vst.msk vm1, v7  }
0xa0: {  	v8 =	vmpcnt.ones.xlane vm2;
	[tilespmem:s18+$0xE180] =	vst.msk vm2, v7  }
0xa1: {  	(v2sf) =	vpush v6, $0x0;
	v6 =	vld [tilespmem:s17+$0x0]  }
0xa2: {  	(v2sf) =	vpush v8, $0x0;
	_ =	sdelay $0x3  }
0xa3: {  	vm1 =	veq.s32 v6, $0x1  }
0xa4: {  	vm2 =	veq.s32 v6, $0x0;
	v6 =	vmpcnt.ones.xlane vm1  }
0xa5: {  	v7 =	vmpcnt.ones.xlane vm2  }
0xa6: {  	(v2sf) =	vpush v6, $0x0  }
0xa7: {  	(v2sf) =	vpush v7, $0x0;
	_ =	sdelay $0x5  }
0xa8: {  	s31 =	sadd.s32 $0xFFFFFFE0, s16;
	s22 =	spop (v2sf)  }
0xa9: {  	v6 =	vor.u32 s31, v1;
	s19 =	sadd.s32 s19, s22;
	s23 =	spop (v2sf)  }
0xaa: {  	s18 =	sadd.s32 s18, s23;
	[tilespmem:s19+$0x9100] =	vst.msk vm1, v6  }
0xab: {  	[tilespmem:s18+$0xE180] =	vst.msk vm2, v6  }
0xac: {  	v6 =	vld [tilespmem:s17+$0x10];
	_ =	sdelay $0x3  }
0xad: {  	s24 =	sadd.s32 $0xFFFFFFF0, s16;
	s25 =	spop (v2sf)  }
0xae: {  	v7 =	vor.u32 s24, v1;
	vm1 =	veq.s32 v6, $0x1;
	s19 =	sadd.s32 s19, s25;
	s26 =	spop (v2sf)  }
0xaf: {  	vm2 =	veq.s32 v6, $0x0;
	s18 =	sadd.s32 s18, s26;
	[tilespmem:s19+$0x9100] =	vst.msk vm1, v7  }
0xb0: {  	[tilespmem:s18+$0xE180] =	vst.msk vm2, v7  }
0xb1: {  	v6 =	vld [tilespmem:s17+$0x20];
	_ =	sdelay $0x3  }
0xb2: {  	v7 =	vmpcnt.ones.xlane vm1  }
0xb3: {  	v63 =	vmpcnt.ones.xlane vm2;
	vm1 =	veq.s32 v6, $0x1  }
0xb4: {  	(v2sf) =	vpush v7, $0x0;
	vm2 =	veq.s32 v6, $0x0;
	v6 =	vmpcnt.ones.xlane vm1  }
0xb5: {  	(v2sf) =	vpush v63, $0x0  }
0xb6: {  	(v2sf) =	vpush v6, $0x0;
	_ =	sdelay $0x3  }
0xb7: {  	v7 =	vmpcnt.ones.xlane vm2;
	_ =	sdelay $0x1  }
0xb8: {  	(v2sf) =	vpush v7, $0x0;
	_ =	sdelay $0x6  }
0xb9: {  	s28 =	spop (v2sf)  }
0xba: {  	s29 =	spop (v2sf)  }
0xbb: {  	v6 =	vor.u32 s16, v1;
	s17 =	sadd.s32 s19, s28;
	s30 =	spop (v2sf)  }
0xbc: {  	[tilespmem:s17+$0x9100] =	vst.msk vm1, v6;
	s17 =	sadd.s32 s17, s30  }
0xbd: {  	s16 =	sadd.s32 s18, s29;
	s18 =	sadd.s32 $0xFFFFFF80, s17  }
0xbe: {  	p0 =	slt.s32 s18, $0x1  }
.Ltmp4:
0xbf: {  	_ = 	snop;
	(pc) =	sbr.rel @p0 .LBB2_13-.Ltmp4, $4  }
0xc0: {  	_ = 	snop  }
0xc1: {  	s20 =	simm.s32 $0x0;
	[tilespmem:s16+$0xE180] =	vst.msk vm2, v6;
	s31 =	spop (v2sf)  }
0xc2: {  	s22 =	simm.s32 $0x0;
	s23 =	simm.s32 $0x0;
	_ =	strace $0x90000049  }
0xc3: {  	s19 =	simm.s32 $0x0;
	s16 =	sadd.s32 s16, s31;
	_ =	strace $0x8000004A  }
.LBB2_5:
0xc4: {  	s21 =	sxor.u32 $0xFFFFFFFF, s19  }
0xc5: {  	s21 =	sadd.s32 s21, s17  }
0xc6: {  	s22 =	sshra.s32 s21, $0x1  }
0xc7: {  	s22 =	sor.u32 s21, s22  }
0xc8: {  	s24 =	sshra.s32 s22, $0x2  }
0xc9: {  	s22 =	sor.u32 s22, s24  }
0xca: {  	s24 =	sshra.s32 s22, $0x4  }
0xcb: {  	s22 =	sor.u32 s22, s24  }
0xcc: {  	s24 =	sshra.s32 s22, $0x8  }
0xcd: {  	s22 =	sor.u32 s22, s24  }
0xce: {  	s25 =	sshll.u32 s23, $0x2;
	s24 =	sshra.s32 s22, $0x10  }
0xcf: {  	s31 =	sshra.s32 s25, $0x2;
	s22 =	sor.u32 s22, s24  }
0xd0: {  	v6 =	vmov s21;
	s21 =	sadd.s32 $0xFFFFFFF1, s23;
	v7 =	vmov s22;
	s22 =	sadd.s32 $0x5080, s31  }
.LBB2_6:
0xd1: {  	v8 =	vld [tilespmem:s22+$0x0];
	_ =	sdelay $0x4  }
0xd2: {  	v8 =	vand.u32 v7, v8  }
0xd3: {  	vm1 =	vle.s32 v8, v6  }
0xd4: {  	v9 =	vsel vm1, $0x3F800000, v2  }
0xd5: {  	(xrf0) =	vmax.scan.msk.f32 $0xffff, v9;
	_ =	sdelay $0x5  }
0xd6: {  	v9, _, _ =	vpop (xrf0)  }
0xd7: {  	(v2sf) =	vpush v9, $0xF;
	_ =	sdelay $0xd  }
0xd8: {  	s23 =	sadd.s32 $0xF, s21  }
0xd9: {  	p0 =	sgt.s32 s23, $0x3FFF;
	s24 =	spop (v2sf)  }
0xda: {  	p1 =	sgt.f32 @!p0 s24, $0.0e+00;
	_ =	sdelay $0x1  }
0xdb: {  	p0 =	por p0, p1  }
.Ltmp5:
0xdc: {  	_ = 	snop;
	(pc) =	sbr.rel @!p0 .LBB2_6-.Ltmp5, $2  }
0xdd: {  	_ =	sdelay $0x2  }
0xde: {  	s21 =	sadd.s32 $0x10, s21;
	s22 =	sadd.s32 $0x10, s22  }
0xdf: {  	v7 =	vmctz.xlane vm1;
	_ =	sdelay $0x1  }
0xe0: {  	v9 =	vbroadcast v7, $0x0;
	_ =	sdelay $0x1  }
0xe1: {  	(v2sf) =	vpush v7, $0x0;
	v7 =	vperm.xlane v8, v9;
	_ =	sdelay $0x1  }
0xe2: {  	v7 =	vbroadcast v7, $0x0;
	_ =	sdelay $0x1  }
0xe3: {  	v6 =	vsel vm0, v7, v6;
	_ =	sdelay $0x4  }
0xe4: {  	v7 =	vld.idx.msk [tilespmem:v6+s13+$0x0], $0xffff  }
0xe5: {  	s19 =	sadd.s32 $0x1, s19  }
0xe6: {  	p0 =	sne.s32 s19, $0x80  }
.Ltmp6:
0xe7: {  	_ = 	snop;
	(pc) =	sbr.rel @p0 .LBB2_5-.Ltmp6, $4  }
0xe8: {  	_ = 	snop  }
0xe9: {  	v7 =	vperm.xlane v7, v4  }
0xea: {  	s22 =	spop (v2sf)  }
0xeb: {  	s23 =	sadd.s32 s21, s22;
	[tilespmem:v6+s13+$0x0] =	vst.idx.msk $0x3, v7  }
0xec: {  	s19 =	sadd.s32 $0xFFFFFF7F, s17  }
0xed: {  	p0 =	slt.s32 s19, $0x1  }
.Ltmp7:
0xee: {  	_ = 	snop;
	(pc) =	sbr.rel @p0 .LBB2_13-.Ltmp7, $2  }
0xef: {  	_ =	sdelay $0x2  }
0xf0: {  	s22 =	sadd.s32 s21, s22;
	s21 =	simm.s32 $0x0  }
.LBB2_9:
0xf1: {  	s23 =	ssub.s32 s19, s21  }
0xf2: {  	s24 =	sshra.s32 s23, $0x1  }
0xf3: {  	s24 =	sor.u32 s23, s24  }
0xf4: {  	s25 =	sshra.s32 s24, $0x2  }
0xf5: {  	s24 =	sor.u32 s24, s25  }
0xf6: {  	s25 =	sshra.s32 s24, $0x4  }
0xf7: {  	s24 =	sor.u32 s24, s25  }
0xf8: {  	s25 =	sshra.s32 s24, $0x8  }
0xf9: {  	s24 =	sor.u32 s24, s25  }
0xfa: {  	s26 =	sshll.u32 s22, $0x2;
	s25 =	sshra.s32 s24, $0x10  }
0xfb: {  	s31 =	sshra.s32 s26, $0x2;
	s24 =	sor.u32 s24, s25  }
0xfc: {  	v7 =	vmov s23;
	s23 =	sadd.s32 $0xFFFFFFF1, s22;
	s22 =	sadd.s32 $0x5080, s31;
	v6 =	vmov s24  }
.LBB2_10:
0xfd: {  	v8 =	vld [tilespmem:s22+$0x0];
	_ =	sdelay $0x4  }
0xfe: {  	v8 =	vand.u32 v6, v8  }
0xff: {  	vm1 =	vle.s32 v8, v7  }
0x100: {  	v8 =	vsel vm1, $0x3F800000, v2  }
0x101: {  	(xrf0) =	vmax.scan.msk.f32 $0xffff, v8;
	_ =	sdelay $0x5  }
0x102: {  	v8, _, _ =	vpop (xrf0)  }
0x103: {  	(v2sf) =	vpush v8, $0xF;
	_ =	sdelay $0xd  }
0x104: {  	s24 =	sadd.s32 $0xF, s23  }
0x105: {  	p0 =	sgt.s32 s24, $0x3FFF;
	s25 =	spop (v2sf)  }
0x106: {  	p1 =	sgt.f32 @!p0 s25, $0.0e+00;
	_ =	sdelay $0x1  }
0x107: {  	p0 =	por p0, p1  }
.Ltmp8:
0x108: {  	_ = 	snop;
	(pc) =	sbr.rel @!p0 .LBB2_10-.Ltmp8, $2  }
0x109: {  	_ =	sdelay $0x2  }
0x10a: {  	s23 =	sadd.s32 $0x10, s23;
	s22 =	sadd.s32 $0x10, s22  }
0x10b: {  	v6 =	vmctz.xlane vm1;
	_ =	sdelay $0x1  }
0x10c: {  	(v2sf) =	vpush v6, $0x0;
	_ =	sdelay $0x9  }
0x10d: {  	s21 =	sadd.s32 $0x1, s21  }
0x10e: {  	p0 =	sne.s32 s21, s19  }
.Ltmp9:
0x10f: {  	_ = 	snop;
	(pc) =	sbr.rel @p0 .LBB2_9-.Ltmp9, $3  }
0x110: {  	_ =	sdelay $0x1  }
0x111: {  	s24 =	spop (v2sf)  }
0x112: {  	s22 =	sadd.s32 s23, s24  }
0x113: {  	s22 =	sadd.s32 s23, s24  }
.LBB2_13:
0x114: {  	p1 =	sgt.s32 s18, $0x0  }
0x115: {  	s18 =	simm.s32 @!p1 $0x0  }
0x116: {  	s19 =	ssub.s32 s18, s17  }
0x117: {  	s21 =	sadd.s32 $0x100, s19  }
0x118: {  	s19 =	ssub.s32 s16, s21  }
0x119: {  	s23 =	smov.u32 s21;
	p0 =	sgt.s32 s19, $0x0  }
0x11a: {  	s23 =	simm.s32 @!p0 $0x0  }
0x11b: {  	p2 =	slt.s32 s23, $0x1  }
.Ltmp10:
0x11c: {  	_ = 	snop;
	(pc) =	sbr.rel @p2 .LBB2_17-.Ltmp10, $3  }
0x11d: {  	_ =	sdelay $0x1  }
0x11e: {  	_ =	strace $0x9000004A  }
0x11f: {  	_ =	strace $0x8000004B  }
.LBB2_14:
0x120: {  	s24 =	sxor.u32 $0xFFFFFFFF, s20  }
0x121: {  	s24 =	sadd.s32 s24, s16  }
0x122: {  	s25 =	sshra.s32 s24, $0x1  }
0x123: {  	s25 =	sor.u32 s24, s25  }
0x124: {  	s26 =	sshra.s32 s25, $0x2  }
0x125: {  	s25 =	sor.u32 s25, s26  }
0x126: {  	s26 =	sshra.s32 s25, $0x4  }
0x127: {  	s25 =	sor.u32 s25, s26  }
0x128: {  	s26 =	sshra.s32 s25, $0x8  }
0x129: {  	s25 =	sor.u32 s25, s26  }
0x12a: {  	s28 =	sshll.u32 s22, $0x2;
	s26 =	sshra.s32 s25, $0x10  }
0x12b: {  	s31 =	sshra.s32 s28, $0x2;
	s25 =	sor.u32 s25, s26  }
0x12c: {  	s22 =	sadd.s32 $0xFFFFFFF1, s22;
	v6 =	vmov s24;
	s24 =	sadd.s32 $0x5080, s31;
	v7 =	vmov s25  }
.LBB2_15:
0x12d: {  	v8 =	vld [tilespmem:s24+$0x0];
	_ =	sdelay $0x4  }
0x12e: {  	v8 =	vand.u32 v7, v8  }
0x12f: {  	vm1 =	vle.s32 v8, v6  }
0x130: {  	v9 =	vsel vm1, $0x3F800000, v2  }
0x131: {  	(xrf0) =	vmax.scan.msk.f32 $0xffff, v9;
	_ =	sdelay $0x5  }
0x132: {  	v9, _, _ =	vpop (xrf0)  }
0x133: {  	(v2sf) =	vpush v9, $0xF;
	_ =	sdelay $0xd  }
0x134: {  	s25 =	sadd.s32 $0xF, s22  }
0x135: {  	p2 =	sgt.s32 s25, $0x3FFF;
	s26 =	spop (v2sf)  }
0x136: {  	p3 =	sgt.f32 @!p2 s26, $0.0e+00;
	_ =	sdelay $0x1  }
0x137: {  	p2 =	por p2, p3  }
.Ltmp11:
0x138: {  	_ = 	snop;
	(pc) =	sbr.rel @!p2 .LBB2_15-.Ltmp11, $2  }
0x139: {  	_ =	sdelay $0x2  }
0x13a: {  	s22 =	sadd.s32 $0x10, s22;
	s24 =	sadd.s32 $0x10, s24  }
0x13b: {  	v7 =	vmctz.xlane vm1;
	_ =	sdelay $0x1  }
0x13c: {  	v9 =	vbroadcast v7, $0x0;
	_ =	sdelay $0x1  }
0x13d: {  	(v2sf) =	vpush v7, $0x0;
	v7 =	vperm.xlane v8, v9;
	_ =	sdelay $0x1  }
0x13e: {  	v7 =	vbroadcast v7, $0x0;
	_ =	sdelay $0x1  }
0x13f: {  	v6 =	vsel vm0, v7, v6;
	_ =	sdelay $0x4  }
0x140: {  	v7 =	vld.idx.msk [tilespmem:v6+s14+$0x0], $0xffff  }
0x141: {  	s20 =	sadd.s32 $0x1, s20  }
0x142: {  	p2 =	sne.s32 s20, s23  }
.Ltmp12:
0x143: {  	_ = 	snop;
	(pc) =	sbr.rel @p2 .LBB2_14-.Ltmp12, $4  }
0x144: {  	_ = 	snop  }
0x145: {  	v7 =	vperm.xlane v7, v4  }
0x146: {  	s24 =	spop (v2sf)  }
0x147: {  	s22 =	sadd.s32 s22, s24;
	[tilespmem:v6+s14+$0x0] =	vst.idx.msk $0x3, v7  }
.LBB2_17:
0x148: {  	_ =	strace $0x9000004B;
	s20 =	simm.s32 $0x50  }
0x149: {  	_ =	strace $0x8000004C;
	[tilespmem:s20+$0xFFFFFFC0] =	vst v5  }
0x14a: {  	[tilespmem:s20+$0xFFFFFFD0] =	vst v5  }
0x14b: {  	[tilespmem:s20+$0xFFFFFFE0] =	vst v5  }
0x14c: {  	[tilespmem:s20+$0xFFFFFFF0] =	vst v5  }
0x14d: {  	[tilespmem:s20+$0x0] =	vst v5  }
0x14e: {  	[tilespmem:s20+$0x10] =	vst v5  }
0x14f: {  	s22 =	simm.s32 $0x0;
	[tilespmem:s20+$0x20] =	vst v5  }
0x150: {  	[tilespmem:s20+$0xFFFFFFB0] =	vst v5;
	s23 =	sand.u32 $0x7FE0, s22;
	s22 =	simm.s32 $0xA0  }
.LBB2_18:
0x151: {  	p2 =	sne.s32 s22, $0x4F60;
	[tilespmem:s23+$0x80] =	vst v5  }
0x152: {  	[tilespmem:s20+$0x40] =	vst v5;
	s20 =	sadd.s32 $0xA0, s20  }
0x153: {  	[tilespmem:s20+$0xFFFFFFC0] =	vst v5  }
0x154: {  	[tilespmem:s20+$0xFFFFFFD0] =	vst v5  }
0x155: {  	[tilespmem:s20+$0xFFFFFFE0] =	vst v5  }
.Ltmp13:
0x156: {  	[tilespmem:s20+$0xFFFFFFF0] =	vst v5;
	(pc) =	sbr.rel @p2 .LBB2_18-.Ltmp13, $4  }
0x157: {  	[tilespmem:s20+$0x0] =	vst v5  }
0x158: {  	[tilespmem:s20+$0x10] =	vst v5  }
0x159: {  	[tilespmem:s20+$0x20] =	vst v5  }
0x15a: {  	s23 =	sand.u32 $0x7FE0, s22;
	s22 =	sadd.s32 $0xA0, s22;
	[tilespmem:s20+$0xFFFFFFB0] =	vst v5  }
0x15b: {  	s17 =	simm.s32 @p1 $0x80  }
0x15c: {  	s22 =	sadd.s32 $0xF, s17  }
0x15d: {  	s24 =	sand.u32 $0xF, s22  }
0x15e: {  	p2 =	slt.s32 s17, $0xFFFFFFF2;
	s31 =	sshra.s32 s22, $0x1F;
	p6 =	sne.s32 s24, $0x0  }
0x15f: {  	s24 =	sshrl.u32 s31, $0x1C;
	p1 =	por !p2, !p6  }
0x160: {  	s22 =	sadd.s32 s24, s22;
	s24 =	simm.s32 $0x1;
	p1 =	por !p1, !p1  }
0x161: {  	s22 =	sshra.s32 s22, $0x4;
	s24 =	simm.s32 @!p1 $0x0  }
0x162: {  	s22 =	ssub.s32 s22, s24  }
0x163: {  	p1 =	slt.s32 s22, $0x1  }
.Ltmp14:
0x164: {  	_ = 	snop;
	(pc) =	sbr.rel @p1 .LBB2_23-.Ltmp14, $4  }
0x165: {  	_ = 	snop  }
0x166: {  	[tilespmem:s23+$0x80] =	vst v5  }
0x167: {  	[tilespmem:s20+$0x40] =	vst v5  }
0x168: {  	_ =	strace $0x9000004C  }
0x169: {  	p1 =	sne.s32 s22, $0x1  }
.Ltmp15:
0x16a: {  	_ = 	snop;
	(pc) =	sbr.rel @!p1 .LBB2_22-.Ltmp15, $3  }
0x16b: {  	_ =	sdelay $0x1  }
0x16c: {  	s18 =	sadd.s32 $0x9100, s18  }
0x16d: {  	v6 =	vmov s17;
	s17 =	simm.s32 $0x0;
	s20 =	sadd.s32 $0xFFFFFFFF, s22;
	v7 =	vld [tilespmem:s18+$0x0]  }
.LBB2_21:
0x16e: {  	p1 =	sne.s32 s20, $0x1;
	v8 =	vor.u32 s17, v1  }
0x16f: {  	vm1 =	vlt.s32 v8, v6;
	_ =	sdelay $0x2  }
.Ltmp16:
0x170: {  	(pc) =	sbr.rel @p1 .LBB2_21-.Ltmp16, $3  }
0x171: {  	_ =	sdelay $0x1  }
0x172: {  	s18 =	sadd.s32 $0x10, s18;
	[tilespmem:v7+s2+$0x0] =	vst.idx.msk vm1, v0  }
0x173: {  	s20 =	sadd.s32 $0xFFFFFFFF, s20;
	s17 =	sadd.s32 $0x10, s17;
	v7 =	vld [tilespmem:s18+$0x0]  }
.LBB2_22:
0x174: {  	_ = 	snop  }
0x175: {  	v8 =	vor.u32 s17, v1  }
0x176: {  	vm1 =	vlt.s32 v8, v6;
	_ =	sdelay $0x5  }
0x177: {  	[tilespmem:v7+s2+$0x0] =	vst.idx.msk vm1, v0  }
.LBB2_23:
0x178: {  	s16 =	smov.u32 @p0 s21  }
0x179: {  	s17 =	sadd.s32 $0xF, s16  }
0x17a: {  	s18 =	sand.u32 $0xF, s17  }
0x17b: {  	s20 =	sshra.s32 s17, $0x1F;
	p1 =	slt.s32 s17, $0x1;
	p2 =	sne.s32 s18, $0x0  }
0x17c: {  	s31 =	sshrl.u32 s20, $0x1C;
	p1 =	por !p1, !p2  }
0x17d: {  	s18 =	simm.s32 $0x1;
	s17 =	sadd.s32 s31, s17;
	p1 =	por !p1, !p1  }
0x17e: {  	s17 =	sshra.s32 s17, $0x4;
	s18 =	simm.s32 @!p1 $0x0  }
0x17f: {  	s18 =	ssub.s32 s17, s18  }
0x180: {  	p1 =	slt.s32 s18, $0x1  }
.Ltmp17:
0x181: {  	_ = 	snop;
	(pc) =	sbr.rel @p1 .LBB2_27-.Ltmp17, $1  }
0x182: {  	_ =	sdelay $0x3  }
0x183: {  	s19 =	simm.s32 @!p0 $0x0;
	p0 =	sne.s32 s18, $0x1  }
.Ltmp18:
0x184: {  	_ = 	snop;
	(pc) =	sbr.rel @!p0 .LBB2_26-.Ltmp18, $3  }
0x185: {  	_ =	sdelay $0x1  }
0x186: {  	s17 =	sadd.s32 $0xE180, s19  }
0x187: {  	v6 =	vmov s16;
	s16 =	simm.s32 $0x0;
	s18 =	sadd.s32 $0xFFFFFFFF, s18;
	v7 =	vld [tilespmem:s17+$0x0]  }
.LBB2_25:
0x188: {  	p0 =	sne.s32 s18, $0x1;
	v8 =	vor.u32 s16, v1  }
0x189: {  	vm1 =	vlt.s32 v8, v6;
	_ =	sdelay $0x2  }
.Ltmp19:
0x18a: {  	(pc) =	sbr.rel @p0 .LBB2_25-.Ltmp19, $3  }
0x18b: {  	_ =	sdelay $0x1  }
0x18c: {  	s17 =	sadd.s32 $0x10, s17;
	[tilespmem:v7+s2+$0x0] =	vst.idx.msk vm1, v3  }
0x18d: {  	s18 =	sadd.s32 $0xFFFFFFFF, s18;
	s16 =	sadd.s32 $0x10, s16;
	v7 =	vld [tilespmem:s17+$0x0]  }
.Ltmp20:
0x18e: {  	_ = 	snop;
	(pc) =	sbr.rel .LBB2_26-.Ltmp20, $1  }
0x18f: {  	_ =	sdelay $0x3  }
.LBB2_28:
0x190: {  	_ =	sfence.sel $0x180000  }
0x191: {  	[bflag:$0x0] =	sbarrier.arrive $0xFFFF  }
0x192: {  	p0 =	sne.s32 s1, $0x0;
	_ =	strace $0x90000047  }
0x193: {  	s0 =	sadd.s32 @!p0 $0x100000, s0;
	[bflag:$0x2] =	sbarrier.arrive $0xFFFF  }
0x194: {  	[sflag:s0] =	ssyncadd.tile.s32 @!p0 $0x1;
	_ =	shalt  }
.Lfunc_end2:
_tile_overlayer_lowered:
.L_overlay_start_2:
0x195: {  	(tag) =	ssettag $0x2  }
0x196: {  	s0 =	rddreg [dreg:$0x0];
	s2 =	stileid.u32  }
0x197: {  	s1 =	rddreg [dreg:$0x1];
	p0 =	sne.s32 s2, $0x0  }
0x198: {  	s3 =	rddreg [dreg:$0x2];
	[bflag:$0x3] =	sbarrier.arrive $0xFFFF;
	s2 =	simm.s32 @!p0 $0x1C01  }
0x199: {  	[timem:s3], [sflag:s2] =	dma.local @!p0 [hbm:s0], s1  }
0x19a: {  	s0 =	simm.s32 @!p0 $0x1  }
0x19b: {  	_ =	swait.ge @!p0 [sflag:s0], s1  }
0x19c: {  	s1 =	ssub.s32 @!p0 $0x0, s1;
	[sflag:s0] =	ssyncset.done @!p0 $0x0  }
0x19d: {  	[sflag:s0] =	ssyncadd.s32 @!p0 s1  }
0x19e: {  	[bflag:$0x3] =	sbarrier.arrive $0xFFFF  }
0x19f: {  	_ =	shalt  }

</sc_bundles>
